<compile_context>
chip_gen: v7x
topology: tpu7x:2x2x1
jax: 0.10.2.dev20260603
libtpu: 0.0.44.dev20260713+nightly
codegen_flags: <defaults>
</compile_context>

<pallas_src>
import functools

import jax
import jax.numpy as jnp
from jax import lax
from jax.experimental import pallas as pl
from jax.experimental.pallas import tpu as pltpu
from jax.experimental.pallas import tpu_sc as plsc

_B = 16384
_A = 128
_NC = 2
_NS = 16
_NW = _NC * _NS
_B_SC = 4096
_B_TC = _B - _B_SC
_RPW = _B_SC // _NW
_CH_ROWS = 64
_CHW = _CH_ROWS * _A
_GPC = _CH_ROWS // 16
_NCH = _RPW // _CH_ROWS
_G = _RPW // 16
_TC_BLOCK = 4096


def _sc_rowstats(action_hbm, sum_hbm, max_hbm, buf, sscr, mscr,
                 sums_v, maxs_v, sem0, sem1):
    wid = lax.axis_index("s") * _NC + lax.axis_index("c")
    base = wid * _RPW
    lanes = jax.lax.iota(jnp.int32, 16)
    idx17 = lanes * 17

    def issue(c):
        src = action_hbm.at[pl.ds((base + c * _CH_ROWS) * _A, _CHW)]

        @pl.when(c % 2 == 0)
        def _():
            pltpu.async_copy(src, buf.at[pl.ds(0, _CHW)], sem0)

        @pl.when(c % 2 == 1)
        def _():
            pltpu.async_copy(src, buf.at[pl.ds(_CHW, _CHW)], sem1)

    def wait(c):
        src = action_hbm.at[pl.ds((base + c * _CH_ROWS) * _A, _CHW)]

        @pl.when(c % 2 == 0)
        def _():
            pltpu.make_async_copy(src, buf.at[pl.ds(0, _CHW)], sem0).wait()

        @pl.when(c % 2 == 1)
        def _():
            pltpu.make_async_copy(src, buf.at[pl.ds(_CHW, _CHW)], sem1).wait()

    issue(0)

    def group(g, carry):
        c = g // _GPC

        @pl.when(g % _GPC == 0)
        def _():
            wait(c)

            @pl.when(c + 1 < _NCH)
            def _():
                issue(c + 1)

        rowbase = (c % 2) * _CHW + (g % _GPC) * (16 * _A)
        for r in range(16):
            off = rowbase + r * _A
            v = [buf[pl.ds(off + k * 16, 16)] for k in range(8)]
            s01, s23 = v[0] + v[1], v[2] + v[3]
            s45, s67 = v[4] + v[5], v[6] + v[7]
            s = (s01 + s23) + (s45 + s67)
            m01, m23 = jnp.maximum(v[0], v[1]), jnp.maximum(v[2], v[3])
            m45, m67 = jnp.maximum(v[4], v[5]), jnp.maximum(v[6], v[7])
            m = jnp.maximum(jnp.maximum(m01, m23), jnp.maximum(m45, m67))
            sscr[pl.ds(r * 17, 16)] = s
            mscr[pl.ds(r * 17, 16)] = m
        sp = [plsc.load_gather(sscr, [idx17 + t]) for t in range(4)]
        mp = [plsc.load_gather(mscr, [idx17 + t]) for t in range(4)]
        for t in range(4, 16):
            sp[t % 4] = sp[t % 4] + plsc.load_gather(sscr, [idx17 + t])
            mp[t % 4] = jnp.maximum(mp[t % 4], plsc.load_gather(mscr, [idx17 + t]))
        sacc = (sp[0] + sp[1]) + (sp[2] + sp[3])
        macc = jnp.maximum(jnp.maximum(mp[0], mp[1]), jnp.maximum(mp[2], mp[3]))
        sums_v[pl.ds(g * 16, 16)] = sacc
        maxs_v[pl.ds(g * 16, 16)] = macc
        return carry

    lax.fori_loop(0, _G, group, 0)
    pltpu.sync_copy(sums_v, sum_hbm.at[pl.ds(base, _RPW)])
    pltpu.sync_copy(maxs_v, max_hbm.at[pl.ds(base, _RPW)])


_sc_call = pl.kernel(
    _sc_rowstats,
    out_type=(
        jax.ShapeDtypeStruct((_B_SC,), jnp.float32),
        jax.ShapeDtypeStruct((_B_SC,), jnp.float32),
    ),
    mesh=plsc.VectorSubcoreMesh(core_axis_name="c", subcore_axis_name="s"),
    compiler_params=pltpu.CompilerParams(needs_layout_passes=False),
    scratch_types=[
        pltpu.VMEM((2 * _CHW,), jnp.float32),
        pltpu.VMEM((16 * 17,), jnp.float32),
        pltpu.VMEM((16 * 17,), jnp.float32),
        pltpu.VMEM((_RPW,), jnp.float32),
        pltpu.VMEM((_RPW,), jnp.float32),
        pltpu.SemaphoreType.DMA,
        pltpu.SemaphoreType.DMA,
    ],
)


def _tc_partial_kernel(label_ref, x_ref, out_ref, acc_ref):
    i = pl.program_id(0)

    @pl.when(i == 0)
    def _init():
        acc_ref[0] = 0.0
        acc_ref[1] = 0.0

    factor = jnp.where(label_ref[0] == 1, jnp.float32(1.25), jnp.float32(0.9))
    x = x_ref[...]
    ell = jnp.log(jnp.sum(x, axis=1) + jnp.max(x, axis=1) * (factor - 1.0))
    acc_ref[0] += jnp.sum(ell)
    acc_ref[1] += jnp.sum(ell * ell)

    @pl.when(i == pl.num_programs(0) - 1)
    def _fin():
        out_ref[0] = acc_ref[0]
        out_ref[1] = acc_ref[1]


def _finish_kernel(label_ref, tc_ref, sum_ref, max_ref, out_ref):
    factor = jnp.where(label_ref[0] == 1, jnp.float32(1.25), jnp.float32(0.9))
    s = sum_ref[...] + max_ref[...] * (factor - 1.0)
    ell = jnp.log(s)
    sl = tc_ref[0] + jnp.sum(ell)
    sl2 = tc_ref[1] + jnp.sum(ell * ell)
    logf = jnp.log(factor)
    a = jnp.float32(_A)
    b = jnp.float32(_B)
    out_ref[0] = (a * sl2 - 2.0 * logf * sl + b * logf * logf) / (a * b)


@jax.jit
def _run(action, label_i32):
    rowsum, rowmax = _sc_call(action.reshape(_B * _A))
    tc_part = pl.pallas_call(
        _tc_partial_kernel,
        grid=(_B_TC // _TC_BLOCK,),
        in_specs=[
            pl.BlockSpec(memory_space=pltpu.SMEM),
            pl.BlockSpec((_TC_BLOCK, _A),
                         lambda i: (i + _B_SC // _TC_BLOCK, 0)),
        ],
        out_specs=pl.BlockSpec(memory_space=pltpu.SMEM),
        out_shape=jax.ShapeDtypeStruct((2,), jnp.float32),
        scratch_shapes=[pltpu.SMEM((2,), jnp.float32)],
    )(label_i32, action)
    out = pl.pallas_call(
        _finish_kernel,
        in_specs=[
            pl.BlockSpec(memory_space=pltpu.SMEM),
            pl.BlockSpec(memory_space=pltpu.SMEM),
            pl.BlockSpec((_B_SC // _A, _A), lambda: (0, 0)),
            pl.BlockSpec((_B_SC // _A, _A), lambda: (0, 0)),
        ],
        out_specs=pl.BlockSpec(memory_space=pltpu.SMEM),
        out_shape=jax.ShapeDtypeStruct((1,), jnp.float32),
    )(label_i32, tc_part, rowsum.reshape(_B_SC // _A, _A),
      rowmax.reshape(_B_SC // _A, _A))
    return out[0]


def kernel(action, label):
    return _run(action, label.astype(jnp.int32))

# --- scband reference (transcript-rebuilt; emitter-appended) ---
"""Pipeline reference for scband-generator-loss-5119601017356 (READ-ONLY COPY).

The authoritative reference and input builder live on the scoring server;
editing this copy changes nothing except your own understanding.
"""

import jax, jax.numpy as jnp
import numpy as np

B = 16384
A = 128

def setup_inputs(seed: int = 0) -> dict:
    key = jax.random.key(seed)
    k1, k2 = jax.random.split(key)
    # strictly positive values since the loss takes log(action)
    action = jax.random.uniform(k1, (B, A), dtype=jnp.float32, minval=1e-3, maxval=1.0)
    label = jnp.ones((1,), dtype=jnp.int64)
    return {"action": action, "label": label}

def reference(action, label):
    # actions = action.clone().detach()
    actions = jax.lax.stop_gradient(action)
    val = jnp.max(actions, axis=-1)
    idx = jnp.argmax(actions, axis=-1)
    # label == 1 branch: val + val*0.25 ; else: val - val*0.1
    factor = jnp.where(label[0] == 1, jnp.float32(1.25), jnp.float32(0.9))
    actions = actions.at[jnp.arange(actions.shape[0]), idx].set(val * factor)
    # actions = (actions.T / actions.sum(1)).T  -> row-normalize
    actions = actions / jnp.sum(actions, axis=1, keepdims=True)
    # MSELoss(log(action), log(actions))
    loss = jnp.mean((jnp.log(action) - jnp.log(actions)) ** 2)
    return loss

if __name__ == "__main__":
    import jax
    _d = setup_inputs()
    print(jax.jit(kernel)(*tuple(_d.values())))

</pallas_src>

<mosaic_0001>
#map = affine_map<(d0, d1) -> (0)>
module attributes {stable_mosaic.version = 14 : i64} {
  func.func @_sc_rowstats(%arg0: i32, %arg1: i32, %arg2: memref<2097152xf32, #tpu.memory_space<hbm>>, %arg3: memref<4096xf32, #tpu.memory_space<hbm>>, %arg4: memref<4096xf32, #tpu.memory_space<hbm>>, %arg5: memref<16384xf32, #tpu.memory_space<vmem>>, %arg6: memref<272xf32, #tpu.memory_space<vmem>>, %arg7: memref<272xf32, #tpu.memory_space<vmem>>, %arg8: memref<128xf32, #tpu.memory_space<vmem>>, %arg9: memref<128xf32, #tpu.memory_space<vmem>>, %arg10: memref<!tpu.dma_semaphore, #tpu.memory_space<semaphore_mem>>, %arg11: memref<!tpu.dma_semaphore, #tpu.memory_space<semaphore_mem>>) attributes {dimension_semantics = [#tpu.dimension_semantics<core_parallel>, #tpu.dimension_semantics<subcore_parallel>], iteration_bounds = array<i64: 2, 16>, scalar_prefetch = 0 : i64, scratch_operands = 7 : i64, tpu.core_type = #tpu.core_type<sc_vector_subcore>, window_params = [{transform_indices = #map}, {transform_indices = #map}, {transform_indices = #map}]} {
    %mul3A = arith.constant 2 : i32
    %mul3A_0 = arith.muli %arg1, %mul3A : i32
    %add3A = arith.addi %mul3A_0, %arg0 : i32
    %mul3A_1 = arith.constant 128 : i32
    %mul3A_2 = arith.muli %add3A, %mul3A_1 : i32
    %iota3A = tpu.iota {dimensions = array<i32: 0>} : vector<16xi32>
    %mul3A_3 = arith.constant 17 : i32
    %mul3A_4 = vector.broadcast %mul3A_3 : i32 to vector<16xi32>
    %mul3A_5 = arith.muli %iota3A, %mul3A_4 : vector<16xi32>
    %add3A_6 = arith.constant 0 : i32
    %add3A_7 = arith.addi %mul3A_2, %add3A_6 : i32
    %mul3A_8 = arith.constant 128 : i32
    %mul3A_9 = arith.muli %add3A_7, %mul3A_8 : i32
    %dma_start3A = arith.constant 0 : i32
    %dma_start3A_10 = tpu.memref_slice %arg5[%dma_start3A] : memref<16384xf32, #tpu.memory_space<vmem>> -> memref<8192xf32, #tpu.memory_space<vmem>>
    %dma_start3A_11 = tpu.memref_slice %arg2[%mul3A_9] : memref<2097152xf32, #tpu.memory_space<hbm>> -> memref<8192xf32, #tpu.memory_space<hbm>>
    %dma_start3A_12 = arith.constant 0 : i32
    %dma_start3A_13 = tpu.memref_slice %arg5[%dma_start3A_12] : memref<16384xf32, #tpu.memory_space<vmem>> -> memref<8192xf32, #tpu.memory_space<vmem>>
    %dma_start3A_14 = tpu.memref_slice %arg2[%mul3A_9] : memref<2097152xf32, #tpu.memory_space<hbm>> -> memref<8192xf32, #tpu.memory_space<hbm>>
    tpu.enqueue_dma source(%dma_start3A_14 : memref<8192xf32, #tpu.memory_space<hbm>>) target(%dma_start3A_13 : memref<8192xf32, #tpu.memory_space<vmem>>) target_semaphore(%arg10 : memref<!tpu.dma_semaphore, #tpu.memory_space<semaphore_mem>>)
    %scan3A = arith.constant 0 : i32
    %scan3A_15 = arith.constant 0 : i32
    %scan3A_16 = arith.constant 8 : i32
    %scan3A_17 = arith.addi %scan3A_15, %scan3A_16 : i32
    %scan3A_18 = arith.constant 1 : i32
    scf.for %scan3A_20 = %scan3A_15 to %scan3A_17 step %scan3A_18  : i32 {
      %jit3A = arith.constant 4 : i32
      %div3A = arith.divsi %scan3A_20, %jit3A : i32
      %sign3A = arith.constant 0 : i32
      %sign3A_21 = arith.cmpi sgt, %scan3A_20, %sign3A : i32
      %sign3A_22 = arith.extui %sign3A_21 : i1 to i32
      %sign3A_23 = arith.constant 0 : i32
      %sign3A_24 = arith.cmpi slt, %scan3A_20, %sign3A_23 : i32
      %sign3A_25 = arith.extui %sign3A_24 : i1 to i32
      %sign3A_26 = arith.subi %sign3A_22, %sign3A_25 : i32
      %sign3A_27 = arith.constant 0 : i32
      %sign3A_28 = arith.cmpi sgt, %jit3A, %sign3A_27 : i32
      %sign3A_29 = arith.extui %sign3A_28 : i1 to i32
      %sign3A_30 = arith.constant 0 : i32
      %sign3A_31 = arith.cmpi slt, %jit3A, %sign3A_30 : i32
      %sign3A_32 = arith.extui %sign3A_31 : i1 to i32
      %sign3A_33 = arith.subi %sign3A_29, %sign3A_32 : i32
      %ne3A = arith.cmpi ne, %sign3A_26, %sign3A_33 : i32
      %rem3A = arith.remsi %scan3A_20, %jit3A : i32
      %ne3A_34 = arith.constant 0 : i32
      %ne3A_35 = arith.cmpi ne, %rem3A, %ne3A_34 : i32
      %and3A = arith.andi %ne3A, %ne3A_35 : i1
      %sub3A = arith.constant 1 : i32
      %sub3A_36 = arith.subi %div3A, %sub3A : i32
      %select_n3A = arith.select %and3A, %sub3A_36, %div3A : i32
      %jit3A_37 = arith.constant 4 : i32
      %eq3A = arith.constant 0 : i32
      %eq3A_38 = arith.cmpi eq, %jit3A_37, %eq3A : i32
      %jit3A_39 = arith.constant 1 : i32
      %select_n3A_40 = arith.select %eq3A_38, %jit3A_39, %jit3A_37 : i32
      %rem3A_41 = arith.remsi %scan3A_20, %select_n3A_40 : i32
      %ne3A_42 = arith.constant 0 : i32
      %ne3A_43 = arith.cmpi ne, %rem3A_41, %ne3A_42 : i32
      %lt3A = arith.constant 0 : i32
      %lt3A_44 = arith.cmpi slt, %rem3A_41, %lt3A : i32
      %lt3A_45 = arith.constant 0 : i32
      %lt3A_46 = arith.cmpi slt, %select_n3A_40, %lt3A_45 : i32
      %ne3A_47 = arith.xori %lt3A_44, %lt3A_46 : i1
      %and3A_48 = arith.andi %ne3A_47, %ne3A_43 : i1
      %add3A_49 = arith.addi %rem3A_41, %select_n3A_40 : i32
      %select_n3A_50 = arith.select %and3A_48, %add3A_49, %rem3A_41 : i32
      %eq3A_51 = arith.constant 0 : i32
      %eq3A_52 = arith.cmpi eq, %select_n3A_50, %eq3A_51 : i32
      %convert_element_type3A = arith.extui %eq3A_52 : i1 to i32
      %cond3A = arith.constant 0 : i32
      %cond3A_53 = arith.cmpi ne, %convert_element_type3A, %cond3A : i32
      scf.if %cond3A_53 {
        %mul3A_1085 = arith.constant 64 : i32
        %mul3A_1086 = arith.muli %select_n3A, %mul3A_1085 : i32
        %add3A_1087 = arith.addi %mul3A_2, %mul3A_1086 : i32
        %mul3A_1088 = arith.constant 128 : i32
        %mul3A_1089 = arith.muli %add3A_1087, %mul3A_1088 : i32
        %jit3A_1090 = arith.constant 2 : i32
        %eq3A_1091 = arith.constant 0 : i32
        %eq3A_1092 = arith.cmpi eq, %jit3A_1090, %eq3A_1091 : i32
        %jit3A_1093 = arith.constant 1 : i32
        %select_n3A_1094 = arith.select %eq3A_1092, %jit3A_1093, %jit3A_1090 : i32
        %rem3A_1095 = arith.remsi %select_n3A, %select_n3A_1094 : i32
        %ne3A_1096 = arith.constant 0 : i32
        %ne3A_1097 = arith.cmpi ne, %rem3A_1095, %ne3A_1096 : i32
        %lt3A_1098 = arith.constant 0 : i32
        %lt3A_1099 = arith.cmpi slt, %rem3A_1095, %lt3A_1098 : i32
        %lt3A_1100 = arith.constant 0 : i32
        %lt3A_1101 = arith.cmpi slt, %select_n3A_1094, %lt3A_1100 : i32
        %ne3A_1102 = arith.xori %lt3A_1099, %lt3A_1101 : i1
        %and3A_1103 = arith.andi %ne3A_1102, %ne3A_1097 : i1
        %add3A_1104 = arith.addi %rem3A_1095, %select_n3A_1094 : i32
        %select_n3A_1105 = arith.select %and3A_1103, %add3A_1104, %rem3A_1095 : i32
        %eq3A_1106 = arith.constant 0 : i32
        %eq3A_1107 = arith.cmpi eq, %select_n3A_1105, %eq3A_1106 : i32
        %convert_element_type3A_1108 = arith.extui %eq3A_1107 : i1 to i32
        %cond3A_1109 = arith.constant 0 : i32
        %cond3A_1110 = arith.cmpi ne, %convert_element_type3A_1108, %cond3A_1109 : i32
        scf.if %cond3A_1110 {
          %dma_wait3A = arith.constant 0 : i32
          %dma_wait3A_1139 = tpu.memref_slice %arg5[%dma_wait3A] : memref<16384xf32, #tpu.memory_space<vmem>> -> memref<8192xf32, #tpu.memory_space<vmem>>
          %dma_wait3A_1140 = tpu.memref_slice %arg2[%mul3A_1089] : memref<2097152xf32, #tpu.memory_space<hbm>> -> memref<8192xf32, #tpu.memory_space<hbm>>
          %dma_wait3A_1141 = arith.constant 0 : i32
          %dma_wait3A_1142 = tpu.memref_slice %arg5[%dma_wait3A_1141] : memref<16384xf32, #tpu.memory_space<vmem>> -> memref<8192xf32, #tpu.memory_space<vmem>>
          %dma_wait3A_1143 = tpu.memref_slice %arg2[%mul3A_1089] : memref<2097152xf32, #tpu.memory_space<hbm>> -> memref<8192xf32, #tpu.memory_space<hbm>>
          tpu.wait_dma2 semaphore(%arg10 : memref<!tpu.dma_semaphore, #tpu.memory_space<semaphore_mem>>) src(%dma_wait3A_1143 : memref<8192xf32, #tpu.memory_space<hbm>>) dst(%dma_wait3A_1142 : memref<8192xf32, #tpu.memory_space<vmem>>)
        } else {
        }
        %jit3A_1111 = arith.constant 2 : i32
        %eq3A_1112 = arith.constant 0 : i32
        %eq3A_1113 = arith.cmpi eq, %jit3A_1111, %eq3A_1112 : i32
        %jit3A_1114 = arith.constant 1 : i32
        %select_n3A_1115 = arith.select %eq3A_1113, %jit3A_1114, %jit3A_1111 : i32
        %rem3A_1116 = arith.remsi %select_n3A, %select_n3A_1115 : i32
        %ne3A_1117 = arith.constant 0 : i32
        %ne3A_1118 = arith.cmpi ne, %rem3A_1116, %ne3A_1117 : i32
        %lt3A_1119 = arith.constant 0 : i32
        %lt3A_1120 = arith.cmpi slt, %rem3A_1116, %lt3A_1119 : i32
        %lt3A_1121 = arith.constant 0 : i32
        %lt3A_1122 = arith.cmpi slt, %select_n3A_1115, %lt3A_1121 : i32
        %ne3A_1123 = arith.xori %lt3A_1120, %lt3A_1122 : i1
        %and3A_1124 = arith.andi %ne3A_1123, %ne3A_1118 : i1
        %add3A_1125 = arith.addi %rem3A_1116, %select_n3A_1115 : i32
        %select_n3A_1126 = arith.select %and3A_1124, %add3A_1125, %rem3A_1116 : i32
        %eq3A_1127 = arith.constant 1 : i32
        %eq3A_1128 = arith.cmpi eq, %select_n3A_1126, %eq3A_1127 : i32
        %convert_element_type3A_1129 = arith.extui %eq3A_1128 : i1 to i32
        %cond3A_1130 = arith.constant 0 : i32
        %cond3A_1131 = arith.cmpi ne, %convert_element_type3A_1129, %cond3A_1130 : i32
        scf.if %cond3A_1131 {
          %dma_wait3A = arith.constant 8192 : i32
          %dma_wait3A_1139 = tpu.memref_slice %arg5[%dma_wait3A] : memref<16384xf32, #tpu.memory_space<vmem>> -> memref<8192xf32, #tpu.memory_space<vmem>>
          %dma_wait3A_1140 = tpu.memref_slice %arg2[%mul3A_1089] : memref<2097152xf32, #tpu.memory_space<hbm>> -> memref<8192xf32, #tpu.memory_space<hbm>>
          %dma_wait3A_1141 = arith.constant 8192 : i32
          %dma_wait3A_1142 = tpu.memref_slice %arg5[%dma_wait3A_1141] : memref<16384xf32, #tpu.memory_space<vmem>> -> memref<8192xf32, #tpu.memory_space<vmem>>
          %dma_wait3A_1143 = tpu.memref_slice %arg2[%mul3A_1089] : memref<2097152xf32, #tpu.memory_space<hbm>> -> memref<8192xf32, #tpu.memory_space<hbm>>
          tpu.wait_dma2 semaphore(%arg11 : memref<!tpu.dma_semaphore, #tpu.memory_space<semaphore_mem>>) src(%dma_wait3A_1143 : memref<8192xf32, #tpu.memory_space<hbm>>) dst(%dma_wait3A_1142 : memref<8192xf32, #tpu.memory_space<vmem>>)
        } else {
        }
        %add3A_1132 = arith.constant 1 : i32
        %add3A_1133 = arith.addi %select_n3A, %add3A_1132 : i32
        %lt3A_1134 = arith.constant 2 : i32
        %lt3A_1135 = arith.cmpi slt, %add3A_1133, %lt3A_1134 : i32
        %convert_element_type3A_1136 = arith.extui %lt3A_1135 : i1 to i32
        %cond3A_1137 = arith.constant 0 : i32
        %cond3A_1138 = arith.cmpi ne, %convert_element_type3A_1136, %cond3A_1137 : i32
        scf.if %cond3A_1138 {
          %add3A_1139 = arith.constant 1 : i32
          %add3A_1140 = arith.addi %select_n3A, %add3A_1139 : i32
          %mul3A_1141 = arith.constant 64 : i32
          %mul3A_1142 = arith.muli %add3A_1140, %mul3A_1141 : i32
          %add3A_1143 = arith.addi %mul3A_2, %mul3A_1142 : i32
          %mul3A_1144 = arith.constant 128 : i32
          %mul3A_1145 = arith.muli %add3A_1143, %mul3A_1144 : i32
          %jit3A_1146 = arith.constant 2 : i32
          %eq3A_1147 = arith.constant 0 : i32
          %eq3A_1148 = arith.cmpi eq, %jit3A_1146, %eq3A_1147 : i32
          %jit3A_1149 = arith.constant 1 : i32
          %select_n3A_1150 = arith.select %eq3A_1148, %jit3A_1149, %jit3A_1146 : i32
          %rem3A_1151 = arith.remsi %add3A_1140, %select_n3A_1150 : i32
          %ne3A_1152 = arith.constant 0 : i32
          %ne3A_1153 = arith.cmpi ne, %rem3A_1151, %ne3A_1152 : i32
          %lt3A_1154 = arith.constant 0 : i32
          %lt3A_1155 = arith.cmpi slt, %rem3A_1151, %lt3A_1154 : i32
          %lt3A_1156 = arith.constant 0 : i32
          %lt3A_1157 = arith.cmpi slt, %select_n3A_1150, %lt3A_1156 : i32
          %ne3A_1158 = arith.xori %lt3A_1155, %lt3A_1157 : i1
          %and3A_1159 = arith.andi %ne3A_1158, %ne3A_1153 : i1
          %add3A_1160 = arith.addi %rem3A_1151, %select_n3A_1150 : i32
          %select_n3A_1161 = arith.select %and3A_1159, %add3A_1160, %rem3A_1151 : i32
          %eq3A_1162 = arith.constant 0 : i32
          %eq3A_1163 = arith.cmpi eq, %select_n3A_1161, %eq3A_1162 : i32
          %convert_element_type3A_1164 = arith.extui %eq3A_1163 : i1 to i32
          %cond3A_1165 = arith.constant 0 : i32
          %cond3A_1166 = arith.cmpi ne, %convert_element_type3A_1164, %cond3A_1165 : i32
          scf.if %cond3A_1166 {
            %dma_start3A_1188 = arith.constant 0 : i32
            %dma_start3A_1189 = tpu.memref_slice %arg5[%dma_start3A_1188] : memref<16384xf32, #tpu.memory_space<vmem>> -> memref<8192xf32, #tpu.memory_space<vmem>>
            %dma_start3A_1190 = tpu.memref_slice %arg2[%mul3A_1145] : memref<2097152xf32, #tpu.memory_space<hbm>> -> memref<8192xf32, #tpu.memory_space<hbm>>
            %dma_start3A_1191 = arith.constant 0 : i32
            %dma_start3A_1192 = tpu.memref_slice %arg5[%dma_start3A_1191] : memref<16384xf32, #tpu.memory_space<vmem>> -> memref<8192xf32, #tpu.memory_space<vmem>>
            %dma_start3A_1193 = tpu.memref_slice %arg2[%mul3A_1145] : memref<2097152xf32, #tpu.memory_space<hbm>> -> memref<8192xf32, #tpu.memory_space<hbm>>
            tpu.enqueue_dma source(%dma_start3A_1193 : memref<8192xf32, #tpu.memory_space<hbm>>) target(%dma_start3A_1192 : memref<8192xf32, #tpu.memory_space<vmem>>) target_semaphore(%arg10 : memref<!tpu.dma_semaphore, #tpu.memory_space<semaphore_mem>>)
          } else {
          }
          %jit3A_1167 = arith.constant 2 : i32
          %eq3A_1168 = arith.constant 0 : i32
          %eq3A_1169 = arith.cmpi eq, %jit3A_1167, %eq3A_1168 : i32
          %jit3A_1170 = arith.constant 1 : i32
          %select_n3A_1171 = arith.select %eq3A_1169, %jit3A_1170, %jit3A_1167 : i32
          %rem3A_1172 = arith.remsi %add3A_1140, %select_n3A_1171 : i32
          %ne3A_1173 = arith.constant 0 : i32
          %ne3A_1174 = arith.cmpi ne, %rem3A_1172, %ne3A_1173 : i32
          %lt3A_1175 = arith.constant 0 : i32
          %lt3A_1176 = arith.cmpi slt, %rem3A_1172, %lt3A_1175 : i32
          %lt3A_1177 = arith.constant 0 : i32
          %lt3A_1178 = arith.cmpi slt, %select_n3A_1171, %lt3A_1177 : i32
          %ne3A_1179 = arith.xori %lt3A_1176, %lt3A_1178 : i1
          %and3A_1180 = arith.andi %ne3A_1179, %ne3A_1174 : i1
          %add3A_1181 = arith.addi %rem3A_1172, %select_n3A_1171 : i32
          %select_n3A_1182 = arith.select %and3A_1180, %add3A_1181, %rem3A_1172 : i32
          %eq3A_1183 = arith.constant 1 : i32
          %eq3A_1184 = arith.cmpi eq, %select_n3A_1182, %eq3A_1183 : i32
          %convert_element_type3A_1185 = arith.extui %eq3A_1184 : i1 to i32
          %cond3A_1186 = arith.constant 0 : i32
          %cond3A_1187 = arith.cmpi ne, %convert_element_type3A_1185, %cond3A_1186 : i32
          scf.if %cond3A_1187 {
            %dma_start3A_1188 = arith.constant 8192 : i32
            %dma_start3A_1189 = tpu.memref_slice %arg5[%dma_start3A_1188] : memref<16384xf32, #tpu.memory_space<vmem>> -> memref<8192xf32, #tpu.memory_space<vmem>>
            %dma_start3A_1190 = tpu.memref_slice %arg2[%mul3A_1145] : memref<2097152xf32, #tpu.memory_space<hbm>> -> memref<8192xf32, #tpu.memory_space<hbm>>
            %dma_start3A_1191 = arith.constant 8192 : i32
            %dma_start3A_1192 = tpu.memref_slice %arg5[%dma_start3A_1191] : memref<16384xf32, #tpu.memory_space<vmem>> -> memref<8192xf32, #tpu.memory_space<vmem>>
            %dma_start3A_1193 = tpu.memref_slice %arg2[%mul3A_1145] : memref<2097152xf32, #tpu.memory_space<hbm>> -> memref<8192xf32, #tpu.memory_space<hbm>>
            tpu.enqueue_dma source(%dma_start3A_1193 : memref<8192xf32, #tpu.memory_space<hbm>>) target(%dma_start3A_1192 : memref<8192xf32, #tpu.memory_space<vmem>>) target_semaphore(%arg11 : memref<!tpu.dma_semaphore, #tpu.memory_space<semaphore_mem>>)
          } else {
          }
        } else {
        }
      } else {
      }
      %jit3A_54 = arith.constant 2 : i32
      %eq3A_55 = arith.constant 0 : i32
      %eq3A_56 = arith.cmpi eq, %jit3A_54, %eq3A_55 : i32
      %jit3A_57 = arith.constant 1 : i32
      %select_n3A_58 = arith.select %eq3A_56, %jit3A_57, %jit3A_54 : i32
      %rem3A_59 = arith.remsi %select_n3A, %select_n3A_58 : i32
      %ne3A_60 = arith.constant 0 : i32
      %ne3A_61 = arith.cmpi ne, %rem3A_59, %ne3A_60 : i32
      %lt3A_62 = arith.constant 0 : i32
      %lt3A_63 = arith.cmpi slt, %rem3A_59, %lt3A_62 : i32
      %lt3A_64 = arith.constant 0 : i32
      %lt3A_65 = arith.cmpi slt, %select_n3A_58, %lt3A_64 : i32
      %ne3A_66 = arith.xori %lt3A_63, %lt3A_65 : i1
      %and3A_67 = arith.andi %ne3A_66, %ne3A_61 : i1
      %add3A_68 = arith.addi %rem3A_59, %select_n3A_58 : i32
      %select_n3A_69 = arith.select %and3A_67, %add3A_68, %rem3A_59 : i32
      %mul3A_70 = arith.constant 8192 : i32
      %mul3A_71 = arith.muli %select_n3A_69, %mul3A_70 : i32
      %jit3A_72 = arith.constant 4 : i32
      %eq3A_73 = arith.constant 0 : i32
      %eq3A_74 = arith.cmpi eq, %jit3A_72, %eq3A_73 : i32
      %jit3A_75 = arith.constant 1 : i32
      %select_n3A_76 = arith.select %eq3A_74, %jit3A_75, %jit3A_72 : i32
      %rem3A_77 = arith.remsi %scan3A_20, %select_n3A_76 : i32
      %ne3A_78 = arith.constant 0 : i32
      %ne3A_79 = arith.cmpi ne, %rem3A_77, %ne3A_78 : i32
      %lt3A_80 = arith.constant 0 : i32
      %lt3A_81 = arith.cmpi slt, %rem3A_77, %lt3A_80 : i32
      %lt3A_82 = arith.constant 0 : i32
      %lt3A_83 = arith.cmpi slt, %select_n3A_76, %lt3A_82 : i32
      %ne3A_84 = arith.xori %lt3A_81, %lt3A_83 : i1
      %and3A_85 = arith.andi %ne3A_84, %ne3A_79 : i1
      %add3A_86 = arith.addi %rem3A_77, %select_n3A_76 : i32
      %select_n3A_87 = arith.select %and3A_85, %add3A_86, %rem3A_77 : i32
      %mul3A_88 = arith.constant 2048 : i32
      %mul3A_89 = arith.muli %select_n3A_87, %mul3A_88 : i32
      %add3A_90 = arith.addi %mul3A_71, %mul3A_89 : i32
      %add3A_91 = arith.constant 0 : i32
      %add3A_92 = arith.addi %add3A_90, %add3A_91 : i32
      %add3A_93 = arith.constant 0 : i32
      %add3A_94 = arith.addi %add3A_92, %add3A_93 : i32
      %get3A = arith.index_cast %add3A_94 : i32 to index
      %get3A_95 = tpu.vector_load %arg5[%get3A] {strides = array<i32>} : memref<16384xf32, #tpu.memory_space<vmem>>, vector<16xf32>,
      %add3A_96 = arith.constant 16 : i32
      %add3A_97 = arith.addi %add3A_92, %add3A_96 : i32
      %get3A_98 = arith.index_cast %add3A_97 : i32 to index
      %get3A_99 = tpu.vector_load %arg5[%get3A_98] {strides = array<i32>} : memref<16384xf32, #tpu.memory_space<vmem>>, vector<16xf32>,
      %add3A_100 = arith.constant 32 : i32
      %add3A_101 = arith.addi %add3A_92, %add3A_100 : i32
      %get3A_102 = arith.index_cast %add3A_101 : i32 to index
      %get3A_103 = tpu.vector_load %arg5[%get3A_102] {strides = array<i32>} : memref<16384xf32, #tpu.memory_space<vmem>>, vector<16xf32>,
      %add3A_104 = arith.constant 48 : i32
      %add3A_105 = arith.addi %add3A_92, %add3A_104 : i32
      %get3A_106 = arith.index_cast %add3A_105 : i32 to index
      %get3A_107 = tpu.vector_load %arg5[%get3A_106] {strides = array<i32>} : memref<16384xf32, #tpu.memory_space<vmem>>, vector<16xf32>,
      %add3A_108 = arith.constant 64 : i32
      %add3A_109 = arith.addi %add3A_92, %add3A_108 : i32
      %get3A_110 = arith.index_cast %add3A_109 : i32 to index
      %get3A_111 = tpu.vector_load %arg5[%get3A_110] {strides = array<i32>} : memref<16384xf32, #tpu.memory_space<vmem>>, vector<16xf32>,
      %add3A_112 = arith.constant 80 : i32
      %add3A_113 = arith.addi %add3A_92, %add3A_112 : i32
      %get3A_114 = arith.index_cast %add3A_113 : i32 to index
      %get3A_115 = tpu.vector_load %arg5[%get3A_114] {strides = array<i32>} : memref<16384xf32, #tpu.memory_space<vmem>>, vector<16xf32>,
      %add3A_116 = arith.constant 96 : i32
      %add3A_117 = arith.addi %add3A_92, %add3A_116 : i32
      %get3A_118 = arith.index_cast %add3A_117 : i32 to index
      %get3A_119 = tpu.vector_load %arg5[%get3A_118] {strides = array<i32>} : memref<16384xf32, #tpu.memory_space<vmem>>, vector<16xf32>,
      %add3A_120 = arith.constant 112 : i32
      %add3A_121 = arith.addi %add3A_92, %add3A_120 : i32
      %get3A_122 = arith.index_cast %add3A_121 : i32 to index
      %get3A_123 = tpu.vector_load %arg5[%get3A_122] {strides = array<i32>} : memref<16384xf32, #tpu.memory_space<vmem>>, vector<16xf32>,
      %add3A_124 = arith.addf %get3A_95, %get3A_99 : vector<16xf32>
      %add3A_125 = arith.addf %get3A_103, %get3A_107 : vector<16xf32>
      %add3A_126 = arith.addf %get3A_111, %get3A_115 : vector<16xf32>
      %add3A_127 = arith.addf %get3A_119, %get3A_123 : vector<16xf32>
      %add3A_128 = arith.addf %add3A_124, %add3A_125 : vector<16xf32>
      %add3A_129 = arith.addf %add3A_126, %add3A_127 : vector<16xf32>
      %add3A_130 = arith.addf %add3A_128, %add3A_129 : vector<16xf32>
      %max3A = arith.maximumf %get3A_95, %get3A_99 : vector<16xf32>
      %max3A_131 = arith.maximumf %get3A_103, %get3A_107 : vector<16xf32>
      %max3A_132 = arith.maximumf %get3A_111, %get3A_115 : vector<16xf32>
      %max3A_133 = arith.maximumf %get3A_119, %get3A_123 : vector<16xf32>
      %max3A_134 = arith.maximumf %max3A, %max3A_131 : vector<16xf32>
      %max3A_135 = arith.maximumf %max3A_132, %max3A_133 : vector<16xf32>
      %max3A_136 = arith.maximumf %max3A_134, %max3A_135 : vector<16xf32>
      %swap3A = arith.constant 0 : index
      %swap3A_137 = tpu.vector_load %arg6[%swap3A] {strides = array<i32>} : memref<272xf32, #tpu.memory_space<vmem>>, vector<16xf32>,
      tpu.vector_store %arg6[%swap3A], %add3A_130 {strides = array<i32>} : memref<272xf32, #tpu.memory_space<vmem>>, vector<16xf32>,
      %swap3A_138 = arith.constant 0 : index
      %swap3A_139 = tpu.vector_load %arg7[%swap3A_138] {strides = array<i32>} : memref<272xf32, #tpu.memory_space<vmem>>, vector<16xf32>,
      tpu.vector_store %arg7[%swap3A_138], %max3A_136 {strides = array<i32>} : memref<272xf32, #tpu.memory_space<vmem>>, vector<16xf32>,
      %add3A_140 = arith.constant 128 : i32
      %add3A_141 = arith.addi %add3A_90, %add3A_140 : i32
      %add3A_142 = arith.constant 0 : i32
      %add3A_143 = arith.addi %add3A_141, %add3A_142 : i32
      %get3A_144 = arith.index_cast %add3A_143 : i32 to index
      %get3A_145 = tpu.vector_load %arg5[%get3A_144] {strides = array<i32>} : memref<16384xf32, #tpu.memory_space<vmem>>, vector<16xf32>,
      %add3A_146 = arith.constant 16 : i32
      %add3A_147 = arith.addi %add3A_141, %add3A_146 : i32
      %get3A_148 = arith.index_cast %add3A_147 : i32 to index
      %get3A_149 = tpu.vector_load %arg5[%get3A_148] {strides = array<i32>} : memref<16384xf32, #tpu.memory_space<vmem>>, vector<16xf32>,
      %add3A_150 = arith.constant 32 : i32
      %add3A_151 = arith.addi %add3A_141, %add3A_150 : i32
      %get3A_152 = arith.index_cast %add3A_151 : i32 to index
      %get3A_153 = tpu.vector_load %arg5[%get3A_152] {strides = array<i32>} : memref<16384xf32, #tpu.memory_space<vmem>>, vector<16xf32>,
      %add3A_154 = arith.constant 48 : i32
      %add3A_155 = arith.addi %add3A_141, %add3A_154 : i32
      %get3A_156 = arith.index_cast %add3A_155 : i32 to index
      %get3A_157 = tpu.vector_load %arg5[%get3A_156] {strides = array<i32>} : memref<16384xf32, #tpu.memory_space<vmem>>, vector<16xf32>,
      %add3A_158 = arith.constant 64 : i32
      %add3A_159 = arith.addi %add3A_141, %add3A_158 : i32
      %get3A_160 = arith.index_cast %add3A_159 : i32 to index
      %get3A_161 = tpu.vector_load %arg5[%get3A_160] {strides = array<i32>} : memref<16384xf32, #tpu.memory_space<vmem>>, vector<16xf32>,
      %add3A_162 = arith.constant 80 : i32
      %add3A_163 = arith.addi %add3A_141, %add3A_162 : i32
      %get3A_164 = arith.index_cast %add3A_163 : i32 to index
      %get3A_165 = tpu.vector_load %arg5[%get3A_164] {strides = array<i32>} : memref<16384xf32, #tpu.memory_space<vmem>>, vector<16xf32>,
      %add3A_166 = arith.constant 96 : i32
      %add3A_167 = arith.addi %add3A_141, %add3A_166 : i32
      %get3A_168 = arith.index_cast %add3A_167 : i32 to index
      %get3A_169 = tpu.vector_load %arg5[%get3A_168] {strides = array<i32>} : memref<16384xf32, #tpu.memory_space<vmem>>, vector<16xf32>,
      %add3A_170 = arith.constant 112 : i32
      %add3A_171 = arith.addi %add3A_141, %add3A_170 : i32
      %get3A_172 = arith.index_cast %add3A_171 : i32 to index
      %get3A_173 = tpu.vector_load %arg5[%get3A_172] {strides = array<i32>} : memref<16384xf32, #tpu.memory_space<vmem>>, vector<16xf32>,
      %add3A_174 = arith.addf %get3A_145, %get3A_149 : vector<16xf32>
      %add3A_175 = arith.addf %get3A_153, %get3A_157 : vector<16xf32>
      %add3A_176 = arith.addf %get3A_161, %get3A_165 : vector<16xf32>
      %add3A_177 = arith.addf %get3A_169, %get3A_173 : vector<16xf32>
      %add3A_178 = arith.addf %add3A_174, %add3A_175 : vector<16xf32>
      %add3A_179 = arith.addf %add3A_176, %add3A_177 : vector<16xf32>
      %add3A_180 = arith.addf %add3A_178, %add3A_179 : vector<16xf32>
      %max3A_181 = arith.maximumf %get3A_145, %get3A_149 : vector<16xf32>
      %max3A_182 = arith.maximumf %get3A_153, %get3A_157 : vector<16xf32>
      %max3A_183 = arith.maximumf %get3A_161, %get3A_165 : vector<16xf32>
      %max3A_184 = arith.maximumf %get3A_169, %get3A_173 : vector<16xf32>
      %max3A_185 = arith.maximumf %max3A_181, %max3A_182 : vector<16xf32>
      %max3A_186 = arith.maximumf %max3A_183, %max3A_184 : vector<16xf32>
      %max3A_187 = arith.maximumf %max3A_185, %max3A_186 : vector<16xf32>
      %swap3A_188 = arith.constant 17 : index
      %swap3A_189 = tpu.vector_load %arg6[%swap3A_188] {strides = array<i32>} : memref<272xf32, #tpu.memory_space<vmem>>, vector<16xf32>,
      tpu.vector_store %arg6[%swap3A_188], %add3A_180 {strides = array<i32>} : memref<272xf32, #tpu.memory_space<vmem>>, vector<16xf32>,
      %swap3A_190 = arith.constant 17 : index
      %swap3A_191 = tpu.vector_load %arg7[%swap3A_190] {strides = array<i32>} : memref<272xf32, #tpu.memory_space<vmem>>, vector<16xf32>,
      tpu.vector_store %arg7[%swap3A_190], %max3A_187 {strides = array<i32>} : memref<272xf32, #tpu.memory_space<vmem>>, vector<16xf32>,
      %add3A_192 = arith.constant 256 : i32
      %add3A_193 = arith.addi %add3A_90, %add3A_192 : i32
      %add3A_194 = arith.constant 0 : i32
      %add3A_195 = arith.addi %add3A_193, %add3A_194 : i32
      %get3A_196 = arith.index_cast %add3A_195 : i32 to index
      %get3A_197 = tpu.vector_load %arg5[%get3A_196] {strides = array<i32>} : memref<16384xf32, #tpu.memory_space<vmem>>, vector<16xf32>,
      %add3A_198 = arith.constant 16 : i32
      %add3A_199 = arith.addi %add3A_193, %add3A_198 : i32
      %get3A_200 = arith.index_cast %add3A_199 : i32 to index
      %get3A_201 = tpu.vector_load %arg5[%get3A_200] {strides = array<i32>} : memref<16384xf32, #tpu.memory_space<vmem>>, vector<16xf32>,
      %add3A_202 = arith.constant 32 : i32
      %add3A_203 = arith.addi %add3A_193, %add3A_202 : i32
      %get3A_204 = arith.index_cast %add3A_203 : i32 to index
      %get3A_205 = tpu.vector_load %arg5[%get3A_204] {strides = array<i32>} : memref<16384xf32, #tpu.memory_space<vmem>>, vector<16xf32>,
      %add3A_206 = arith.constant 48 : i32
      %add3A_207 = arith.addi %add3A_193, %add3A_206 : i32
      %get3A_208 = arith.index_cast %add3A_207 : i32 to index
      %get3A_209 = tpu.vector_load %arg5[%get3A_208] {strides = array<i32>} : memref<16384xf32, #tpu.memory_space<vmem>>, vector<16xf32>,
      %add3A_210 = arith.constant 64 : i32
      %add3A_211 = arith.addi %add3A_193, %add3A_210 : i32
      %get3A_212 = arith.index_cast %add3A_211 : i32 to index
      %get3A_213 = tpu.vector_load %arg5[%get3A_212] {strides = array<i32>} : memref<16384xf32, #tpu.memory_space<vmem>>, vector<16xf32>,
      %add3A_214 = arith.constant 80 : i32
      %add3A_215 = arith.addi %add3A_193, %add3A_214 : i32
      %get3A_216 = arith.index_cast %add3A_215 : i32 to index
      %get3A_217 = tpu.vector_load %arg5[%get3A_216] {strides = array<i32>} : memref<16384xf32, #tpu.memory_space<vmem>>, vector<16xf32>,
      %add3A_218 = arith.constant 96 : i32
      %add3A_219 = arith.addi %add3A_193, %add3A_218 : i32
      %get3A_220 = arith.index_cast %add3A_219 : i32 to index
      %get3A_221 = tpu.vector_load %arg5[%get3A_220] {strides = array<i32>} : memref<16384xf32, #tpu.memory_space<vmem>>, vector<16xf32>,
      %add3A_222 = arith.constant 112 : i32
      %add3A_223 = arith.addi %add3A_193, %add3A_222 : i32
      %get3A_224 = arith.index_cast %add3A_223 : i32 to index
      %get3A_225 = tpu.vector_load %arg5[%get3A_224] {strides = array<i32>} : memref<16384xf32, #tpu.memory_space<vmem>>, vector<16xf32>,
      %add3A_226 = arith.addf %get3A_197, %get3A_201 : vector<16xf32>
      %add3A_227 = arith.addf %get3A_205, %get3A_209 : vector<16xf32>
      %add3A_228 = arith.addf %get3A_213, %get3A_217 : vector<16xf32>
      %add3A_229 = arith.addf %get3A_221, %get3A_225 : vector<16xf32>
      %add3A_230 = arith.addf %add3A_226, %add3A_227 : vector<16xf32>
      %add3A_231 = arith.addf %add3A_228, %add3A_229 : vector<16xf32>
      %add3A_232 = arith.addf %add3A_230, %add3A_231 : vector<16xf32>
      %max3A_233 = arith.maximumf %get3A_197, %get3A_201 : vector<16xf32>
      %max3A_234 = arith.maximumf %get3A_205, %get3A_209 : vector<16xf32>
      %max3A_235 = arith.maximumf %get3A_213, %get3A_217 : vector<16xf32>
      %max3A_236 = arith.maximumf %get3A_221, %get3A_225 : vector<16xf32>
      %max3A_237 = arith.maximumf %max3A_233, %max3A_234 : vector<16xf32>
      %max3A_238 = arith.maximumf %max3A_235, %max3A_236 : vector<16xf32>
      %max3A_239 = arith.maximumf %max3A_237, %max3A_238 : vector<16xf32>
      %swap3A_240 = arith.constant 34 : index
      %swap3A_241 = tpu.vector_load %arg6[%swap3A_240] {strides = array<i32>} : memref<272xf32, #tpu.memory_space<vmem>>, vector<16xf32>,
      tpu.vector_store %arg6[%swap3A_240], %add3A_232 {strides = array<i32>} : memref<272xf32, #tpu.memory_space<vmem>>, vector<16xf32>,
      %swap3A_242 = arith.constant 34 : index
      %swap3A_243 = tpu.vector_load %arg7[%swap3A_242] {strides = array<i32>} : memref<272xf32, #tpu.memory_space<vmem>>, vector<16xf32>,
      tpu.vector_store %arg7[%swap3A_242], %max3A_239 {strides = array<i32>} : memref<272xf32, #tpu.memory_space<vmem>>, vector<16xf32>,
      %add3A_244 = arith.constant 384 : i32
      %add3A_245 = arith.addi %add3A_90, %add3A_244 : i32
      %add3A_246 = arith.constant 0 : i32
      %add3A_247 = arith.addi %add3A_245, %add3A_246 : i32
      %get3A_248 = arith.index_cast %add3A_247 : i32 to index
      %get3A_249 = tpu.vector_load %arg5[%get3A_248] {strides = array<i32>} : memref<16384xf32, #tpu.memory_space<vmem>>, vector<16xf32>,
      %add3A_250 = arith.constant 16 : i32
      %add3A_251 = arith.addi %add3A_245, %add3A_250 : i32
      %get3A_252 = arith.index_cast %add3A_251 : i32 to index
      %get3A_253 = tpu.vector_load %arg5[%get3A_252] {strides = array<i32>} : memref<16384xf32, #tpu.memory_space<vmem>>, vector<16xf32>,
      %add3A_254 = arith.constant 32 : i32
      %add3A_255 = arith.addi %add3A_245, %add3A_254 : i32
      %get3A_256 = arith.index_cast %add3A_255 : i32 to index
      %get3A_257 = tpu.vector_load %arg5[%get3A_256] {strides = array<i32>} : memref<16384xf32, #tpu.memory_space<vmem>>, vector<16xf32>,
      %add3A_258 = arith.constant 48 : i32
      %add3A_259 = arith.addi %add3A_245, %add3A_258 : i32
      %get3A_260 = arith.index_cast %add3A_259 : i32 to index
      %get3A_261 = tpu.vector_load %arg5[%get3A_260] {strides = array<i32>} : memref<16384xf32, #tpu.memory_space<vmem>>, vector<16xf32>,
      %add3A_262 = arith.constant 64 : i32
      %add3A_263 = arith.addi %add3A_245, %add3A_262 : i32
      %get3A_264 = arith.index_cast %add3A_263 : i32 to index
      %get3A_265 = tpu.vector_load %arg5[%get3A_264] {strides = array<i32>} : memref<16384xf32, #tpu.memory_space<vmem>>, vector<16xf32>,
      %add3A_266 = arith.constant 80 : i32
      %add3A_267 = arith.addi %add3A_245, %add3A_266 : i32
      %get3A_268 = arith.index_cast %add3A_267 : i32 to index
      %get3A_269 = tpu.vector_load %arg5[%get3A_268] {strides = array<i32>} : memref<16384xf32, #tpu.memory_space<vmem>>, vector<16xf32>,
      %add3A_270 = arith.constant 96 : i32
      %add3A_271 = arith.addi %add3A_245, %add3A_270 : i32
      %get3A_272 = arith.index_cast %add3A_271 : i32 to index
      %get3A_273 = tpu.vector_load %arg5[%get3A_272] {strides = array<i32>} : memref<16384xf32, #tpu.memory_space<vmem>>, vector<16xf32>,
      %add3A_274 = arith.constant 112 : i32
      %add3A_275 = arith.addi %add3A_245, %add3A_274 : i32
      %get3A_276 = arith.index_cast %add3A_275 : i32 to index
      %get3A_277 = tpu.vector_load %arg5[%get3A_276] {strides = array<i32>} : memref<16384xf32, #tpu.memory_space<vmem>>, vector<16xf32>,
      %add3A_278 = arith.addf %get3A_249, %get3A_253 : vector<16xf32>
      %add3A_279 = arith.addf %get3A_257, %get3A_261 : vector<16xf32>
      %add3A_280 = arith.addf %get3A_265, %get3A_269 : vector<16xf32>
      %add3A_281 = arith.addf %get3A_273, %get3A_277 : vector<16xf32>
      %add3A_282 = arith.addf %add3A_278, %add3A_279 : vector<16xf32>
      %add3A_283 = arith.addf %add3A_280, %add3A_281 : vector<16xf32>
      %add3A_284 = arith.addf %add3A_282, %add3A_283 : vector<16xf32>
      %max3A_285 = arith.maximumf %get3A_249, %get3A_253 : vector<16xf32>
      %max3A_286 = arith.maximumf %get3A_257, %get3A_261 : vector<16xf32>
      %max3A_287 = arith.maximumf %get3A_265, %get3A_269 : vector<16xf32>
      %max3A_288 = arith.maximumf %get3A_273, %get3A_277 : vector<16xf32>
      %max3A_289 = arith.maximumf %max3A_285, %max3A_286 : vector<16xf32>
      %max3A_290 = arith.maximumf %max3A_287, %max3A_288 : vector<16xf32>
      %max3A_291 = arith.maximumf %max3A_289, %max3A_290 : vector<16xf32>
      %swap3A_292 = arith.constant 51 : index
      %swap3A_293 = tpu.vector_load %arg6[%swap3A_292] {strides = array<i32>} : memref<272xf32, #tpu.memory_space<vmem>>, vector<16xf32>,
      tpu.vector_store %arg6[%swap3A_292], %add3A_284 {strides = array<i32>} : memref<272xf32, #tpu.memory_space<vmem>>, vector<16xf32>,
      %swap3A_294 = arith.constant 51 : index
      %swap3A_295 = tpu.vector_load %arg7[%swap3A_294] {strides = array<i32>} : memref<272xf32, #tpu.memory_space<vmem>>, vector<16xf32>,
      tpu.vector_store %arg7[%swap3A_294], %max3A_291 {strides = array<i32>} : memref<272xf32, #tpu.memory_space<vmem>>, vector<16xf32>,
      %add3A_296 = arith.constant 512 : i32
      %add3A_297 = arith.addi %add3A_90, %add3A_296 : i32
      %add3A_298 = arith.constant 0 : i32
      %add3A_299 = arith.addi %add3A_297, %add3A_298 : i32
      %get3A_300 = arith.index_cast %add3A_299 : i32 to index
      %get3A_301 = tpu.vector_load %arg5[%get3A_300] {strides = array<i32>} : memref<16384xf32, #tpu.memory_space<vmem>>, vector<16xf32>,
      %add3A_302 = arith.constant 16 : i32
      %add3A_303 = arith.addi %add3A_297, %add3A_302 : i32
      %get3A_304 = arith.index_cast %add3A_303 : i32 to index
      %get3A_305 = tpu.vector_load %arg5[%get3A_304] {strides = array<i32>} : memref<16384xf32, #tpu.memory_space<vmem>>, vector<16xf32>,
      %add3A_306 = arith.constant 32 : i32
      %add3A_307 = arith.addi %add3A_297, %add3A_306 : i32
      %get3A_308 = arith.index_cast %add3A_307 : i32 to index
      %get3A_309 = tpu.vector_load %arg5[%get3A_308] {strides = array<i32>} : memref<16384xf32, #tpu.memory_space<vmem>>, vector<16xf32>,
      %add3A_310 = arith.constant 48 : i32
      %add3A_311 = arith.addi %add3A_297, %add3A_310 : i32
      %get3A_312 = arith.index_cast %add3A_311 : i32 to index
      %get3A_313 = tpu.vector_load %arg5[%get3A_312] {strides = array<i32>} : memref<16384xf32, #tpu.memory_space<vmem>>, vector<16xf32>,
      %add3A_314 = arith.constant 64 : i32
      %add3A_315 = arith.addi %add3A_297, %add3A_314 : i32
      %get3A_316 = arith.index_cast %add3A_315 : i32 to index
      %get3A_317 = tpu.vector_load %arg5[%get3A_316] {strides = array<i32>} : memref<16384xf32, #tpu.memory_space<vmem>>, vector<16xf32>,
      %add3A_318 = arith.constant 80 : i32
      %add3A_319 = arith.addi %add3A_297, %add3A_318 : i32
      %get3A_320 = arith.index_cast %add3A_319 : i32 to index
      %get3A_321 = tpu.vector_load %arg5[%get3A_320] {strides = array<i32>} : memref<16384xf32, #tpu.memory_space<vmem>>, vector<16xf32>,
      %add3A_322 = arith.constant 96 : i32
      %add3A_323 = arith.addi %add3A_297, %add3A_322 : i32
      %get3A_324 = arith.index_cast %add3A_323 : i32 to index
      %get3A_325 = tpu.vector_load %arg5[%get3A_324] {strides = array<i32>} : memref<16384xf32, #tpu.memory_space<vmem>>, vector<16xf32>,
      %add3A_326 = arith.constant 112 : i32
      %add3A_327 = arith.addi %add3A_297, %add3A_326 : i32
      %get3A_328 = arith.index_cast %add3A_327 : i32 to index
      %get3A_329 = tpu.vector_load %arg5[%get3A_328] {strides = array<i32>} : memref<16384xf32, #tpu.memory_space<vmem>>, vector<16xf32>,
      %add3A_330 = arith.addf %get3A_301, %get3A_305 : vector<16xf32>
      %add3A_331 = arith.addf %get3A_309, %get3A_313 : vector<16xf32>
      %add3A_332 = arith.addf %get3A_317, %get3A_321 : vector<16xf32>
      %add3A_333 = arith.addf %get3A_325, %get3A_329 : vector<16xf32>
      %add3A_334 = arith.addf %add3A_330, %add3A_331 : vector<16xf32>
      %add3A_335 = arith.addf %add3A_332, %add3A_333 : vector<16xf32>
      %add3A_336 = arith.addf %add3A_334, %add3A_335 : vector<16xf32>
      %max3A_337 = arith.maximumf %get3A_301, %get3A_305 : vector<16xf32>
      %max3A_338 = arith.maximumf %get3A_309, %get3A_313 : vector<16xf32>
      %max3A_339 = arith.maximumf %get3A_317, %get3A_321 : vector<16xf32>
      %max3A_340 = arith.maximumf %get3A_325, %get3A_329 : vector<16xf32>
      %max3A_341 = arith.maximumf %max3A_337, %max3A_338 : vector<16xf32>
      %max3A_342 = arith.maximumf %max3A_339, %max3A_340 : vector<16xf32>
      %max3A_343 = arith.maximumf %max3A_341, %max3A_342 : vector<16xf32>
      %swap3A_344 = arith.constant 68 : index
      %swap3A_345 = tpu.vector_load %arg6[%swap3A_344] {strides = array<i32>} : memref<272xf32, #tpu.memory_space<vmem>>, vector<16xf32>,
      tpu.vector_store %arg6[%swap3A_344], %add3A_336 {strides = array<i32>} : memref<272xf32, #tpu.memory_space<vmem>>, vector<16xf32>,
      %swap3A_346 = arith.constant 68 : index
      %swap3A_347 = tpu.vector_load %arg7[%swap3A_346] {strides = array<i32>} : memref<272xf32, #tpu.memory_space<vmem>>, vector<16xf32>,
      tpu.vector_store %arg7[%swap3A_346], %max3A_343 {strides = array<i32>} : memref<272xf32, #tpu.memory_space<vmem>>, vector<16xf32>,
      %add3A_348 = arith.constant 640 : i32
      %add3A_349 = arith.addi %add3A_90, %add3A_348 : i32
      %add3A_350 = arith.constant 0 : i32
      %add3A_351 = arith.addi %add3A_349, %add3A_350 : i32
      %get3A_352 = arith.index_cast %add3A_351 : i32 to index
      %get3A_353 = tpu.vector_load %arg5[%get3A_352] {strides = array<i32>} : memref<16384xf32, #tpu.memory_space<vmem>>, vector<16xf32>,
      %add3A_354 = arith.constant 16 : i32
      %add3A_355 = arith.addi %add3A_349, %add3A_354 : i32
      %get3A_356 = arith.index_cast %add3A_355 : i32 to index
      %get3A_357 = tpu.vector_load %arg5[%get3A_356] {strides = array<i32>} : memref<16384xf32, #tpu.memory_space<vmem>>, vector<16xf32>,
      %add3A_358 = arith.constant 32 : i32
      %add3A_359 = arith.addi %add3A_349, %add3A_358 : i32
      %get3A_360 = arith.index_cast %add3A_359 : i32 to index
      %get3A_361 = tpu.vector_load %arg5[%get3A_360] {strides = array<i32>} : memref<16384xf32, #tpu.memory_space<vmem>>, vector<16xf32>,
      %add3A_362 = arith.constant 48 : i32
      %add3A_363 = arith.addi %add3A_349, %add3A_362 : i32
      %get3A_364 = arith.index_cast %add3A_363 : i32 to index
      %get3A_365 = tpu.vector_load %arg5[%get3A_364] {strides = array<i32>} : memref<16384xf32, #tpu.memory_space<vmem>>, vector<16xf32>,
      %add3A_366 = arith.constant 64 : i32
      %add3A_367 = arith.addi %add3A_349, %add3A_366 : i32
      %get3A_368 = arith.index_cast %add3A_367 : i32 to index
      %get3A_369 = tpu.vector_load %arg5[%get3A_368] {strides = array<i32>} : memref<16384xf32, #tpu.memory_space<vmem>>, vector<16xf32>,
      %add3A_370 = arith.constant 80 : i32
      %add3A_371 = arith.addi %add3A_349, %add3A_370 : i32
      %get3A_372 = arith.index_cast %add3A_371 : i32 to index
      %get3A_373 = tpu.vector_load %arg5[%get3A_372] {strides = array<i32>} : memref<16384xf32, #tpu.memory_space<vmem>>, vector<16xf32>,
      %add3A_374 = arith.constant 96 : i32
      %add3A_375 = arith.addi %add3A_349, %add3A_374 : i32
      %get3A_376 = arith.index_cast %add3A_375 : i32 to index
      %get3A_377 = tpu.vector_load %arg5[%get3A_376] {strides = array<i32>} : memref<16384xf32, #tpu.memory_space<vmem>>, vector<16xf32>,
      %add3A_378 = arith.constant 112 : i32
      %add3A_379 = arith.addi %add3A_349, %add3A_378 : i32
      %get3A_380 = arith.index_cast %add3A_379 : i32 to index
      %get3A_381 = tpu.vector_load %arg5[%get3A_380] {strides = array<i32>} : memref<16384xf32, #tpu.memory_space<vmem>>, vector<16xf32>,
      %add3A_382 = arith.addf %get3A_353, %get3A_357 : vector<16xf32>
      %add3A_383 = arith.addf %get3A_361, %get3A_365 : vector<16xf32>
      %add3A_384 = arith.addf %get3A_369, %get3A_373 : vector<16xf32>
      %add3A_385 = arith.addf %get3A_377, %get3A_381 : vector<16xf32>
      %add3A_386 = arith.addf %add3A_382, %add3A_383 : vector<16xf32>
      %add3A_387 = arith.addf %add3A_384, %add3A_385 : vector<16xf32>
      %add3A_388 = arith.addf %add3A_386, %add3A_387 : vector<16xf32>
      %max3A_389 = arith.maximumf %get3A_353, %get3A_357 : vector<16xf32>
      %max3A_390 = arith.maximumf %get3A_361, %get3A_365 : vector<16xf32>
      %max3A_391 = arith.maximumf %get3A_369, %get3A_373 : vector<16xf32>
      %max3A_392 = arith.maximumf %get3A_377, %get3A_381 : vector<16xf32>
      %max3A_393 = arith.maximumf %max3A_389, %max3A_390 : vector<16xf32>
      %max3A_394 = arith.maximumf %max3A_391, %max3A_392 : vector<16xf32>
      %max3A_395 = arith.maximumf %max3A_393, %max3A_394 : vector<16xf32>
      %swap3A_396 = arith.constant 85 : index
      %swap3A_397 = tpu.vector_load %arg6[%swap3A_396] {strides = array<i32>} : memref<272xf32, #tpu.memory_space<vmem>>, vector<16xf32>,
      tpu.vector_store %arg6[%swap3A_396], %add3A_388 {strides = array<i32>} : memref<272xf32, #tpu.memory_space<vmem>>, vector<16xf32>,
      %swap3A_398 = arith.constant 85 : index
      %swap3A_399 = tpu.vector_load %arg7[%swap3A_398] {strides = array<i32>} : memref<272xf32, #tpu.memory_space<vmem>>, vector<16xf32>,
      tpu.vector_store %arg7[%swap3A_398], %max3A_395 {strides = array<i32>} : memref<272xf32, #tpu.memory_space<vmem>>, vector<16xf32>,
      %add3A_400 = arith.constant 768 : i32
      %add3A_401 = arith.addi %add3A_90, %add3A_400 : i32
      %add3A_402 = arith.constant 0 : i32
      %add3A_403 = arith.addi %add3A_401, %add3A_402 : i32
      %get3A_404 = arith.index_cast %add3A_403 : i32 to index
      %get3A_405 = tpu.vector_load %arg5[%get3A_404] {strides = array<i32>} : memref<16384xf32, #tpu.memory_space<vmem>>, vector<16xf32>,
      %add3A_406 = arith.constant 16 : i32
      %add3A_407 = arith.addi %add3A_401, %add3A_406 : i32
      %get3A_408 = arith.index_cast %add3A_407 : i32 to index
      %get3A_409 = tpu.vector_load %arg5[%get3A_408] {strides = array<i32>} : memref<16384xf32, #tpu.memory_space<vmem>>, vector<16xf32>,
      %add3A_410 = arith.constant 32 : i32
      %add3A_411 = arith.addi %add3A_401, %add3A_410 : i32
      %get3A_412 = arith.index_cast %add3A_411 : i32 to index
      %get3A_413 = tpu.vector_load %arg5[%get3A_412] {strides = array<i32>} : memref<16384xf32, #tpu.memory_space<vmem>>, vector<16xf32>,
      %add3A_414 = arith.constant 48 : i32
      %add3A_415 = arith.addi %add3A_401, %add3A_414 : i32
      %get3A_416 = arith.index_cast %add3A_415 : i32 to index
      %get3A_417 = tpu.vector_load %arg5[%get3A_416] {strides = array<i32>} : memref<16384xf32, #tpu.memory_space<vmem>>, vector<16xf32>,
      %add3A_418 = arith.constant 64 : i32
      %add3A_419 = arith.addi %add3A_401, %add3A_418 : i32
      %get3A_420 = arith.index_cast %add3A_419 : i32 to index
      %get3A_421 = tpu.vector_load %arg5[%get3A_420] {strides = array<i32>} : memref<16384xf32, #tpu.memory_space<vmem>>, vector<16xf32>,
      %add3A_422 = arith.constant 80 : i32
      %add3A_423 = arith.addi %add3A_401, %add3A_422 : i32
      %get3A_424 = arith.index_cast %add3A_423 : i32 to index
      %get3A_425 = tpu.vector_load %arg5[%get3A_424] {strides = array<i32>} : memref<16384xf32, #tpu.memory_space<vmem>>, vector<16xf32>,
      %add3A_426 = arith.constant 96 : i32
      %add3A_427 = arith.addi %add3A_401, %add3A_426 : i32
      %get3A_428 = arith.index_cast %add3A_427 : i32 to index
      %get3A_429 = tpu.vector_load %arg5[%get3A_428] {strides = array<i32>} : memref<16384xf32, #tpu.memory_space<vmem>>, vector<16xf32>,
      %add3A_430 = arith.constant 112 : i32
      %add3A_431 = arith.addi %add3A_401, %add3A_430 : i32
      %get3A_432 = arith.index_cast %add3A_431 : i32 to index
      %get3A_433 = tpu.vector_load %arg5[%get3A_432] {strides = array<i32>} : memref<16384xf32, #tpu.memory_space<vmem>>, vector<16xf32>,
      %add3A_434 = arith.addf %get3A_405, %get3A_409 : vector<16xf32>
      %add3A_435 = arith.addf %get3A_413, %get3A_417 : vector<16xf32>
      %add3A_436 = arith.addf %get3A_421, %get3A_425 : vector<16xf32>
      %add3A_437 = arith.addf %get3A_429, %get3A_433 : vector<16xf32>
      %add3A_438 = arith.addf %add3A_434, %add3A_435 : vector<16xf32>
      %add3A_439 = arith.addf %add3A_436, %add3A_437 : vector<16xf32>
      %add3A_440 = arith.addf %add3A_438, %add3A_439 : vector<16xf32>
      %max3A_441 = arith.maximumf %get3A_405, %get3A_409 : vector<16xf32>
      %max3A_442 = arith.maximumf %get3A_413, %get3A_417 : vector<16xf32>
      %max3A_443 = arith.maximumf %get3A_421, %get3A_425 : vector<16xf32>
      %max3A_444 = arith.maximumf %get3A_429, %get3A_433 : vector<16xf32>
      %max3A_445 = arith.maximumf %max3A_441, %max3A_442 : vector<16xf32>
      %max3A_446 = arith.maximumf %max3A_443, %max3A_444 : vector<16xf32>
      %max3A_447 = arith.maximumf %max3A_445, %max3A_446 : vector<16xf32>
      %swap3A_448 = arith.constant 102 : index
      %swap3A_449 = tpu.vector_load %arg6[%swap3A_448] {strides = array<i32>} : memref<272xf32, #tpu.memory_space<vmem>>, vector<16xf32>,
      tpu.vector_store %arg6[%swap3A_448], %add3A_440 {strides = array<i32>} : memref<272xf32, #tpu.memory_space<vmem>>, vector<16xf32>,
      %swap3A_450 = arith.constant 102 : index
      %swap3A_451 = tpu.vector_load %arg7[%swap3A_450] {strides = array<i32>} : memref<272xf32, #tpu.memory_space<vmem>>, vector<16xf32>,
      tpu.vector_store %arg7[%swap3A_450], %max3A_447 {strides = array<i32>} : memref<272xf32, #tpu.memory_space<vmem>>, vector<16xf32>,
      %add3A_452 = arith.constant 896 : i32
      %add3A_453 = arith.addi %add3A_90, %add3A_452 : i32
      %add3A_454 = arith.constant 0 : i32
      %add3A_455 = arith.addi %add3A_453, %add3A_454 : i32
      %get3A_456 = arith.index_cast %add3A_455 : i32 to index
      %get3A_457 = tpu.vector_load %arg5[%get3A_456] {strides = array<i32>} : memref<16384xf32, #tpu.memory_space<vmem>>, vector<16xf32>,
      %add3A_458 = arith.constant 16 : i32
      %add3A_459 = arith.addi %add3A_453, %add3A_458 : i32
      %get3A_460 = arith.index_cast %add3A_459 : i32 to index
      %get3A_461 = tpu.vector_load %arg5[%get3A_460] {strides = array<i32>} : memref<16384xf32, #tpu.memory_space<vmem>>, vector<16xf32>,
      %add3A_462 = arith.constant 32 : i32
      %add3A_463 = arith.addi %add3A_453, %add3A_462 : i32
      %get3A_464 = arith.index_cast %add3A_463 : i32 to index
      %get3A_465 = tpu.vector_load %arg5[%get3A_464] {strides = array<i32>} : memref<16384xf32, #tpu.memory_space<vmem>>, vector<16xf32>,
      %add3A_466 = arith.constant 48 : i32
      %add3A_467 = arith.addi %add3A_453, %add3A_466 : i32
      %get3A_468 = arith.index_cast %add3A_467 : i32 to index
      %get3A_469 = tpu.vector_load %arg5[%get3A_468] {strides = array<i32>} : memref<16384xf32, #tpu.memory_space<vmem>>, vector<16xf32>,
      %add3A_470 = arith.constant 64 : i32
      %add3A_471 = arith.addi %add3A_453, %add3A_470 : i32
      %get3A_472 = arith.index_cast %add3A_471 : i32 to index
      %get3A_473 = tpu.vector_load %arg5[%get3A_472] {strides = array<i32>} : memref<16384xf32, #tpu.memory_space<vmem>>, vector<16xf32>,
      %add3A_474 = arith.constant 80 : i32
      %add3A_475 = arith.addi %add3A_453, %add3A_474 : i32
      %get3A_476 = arith.index_cast %add3A_475 : i32 to index
      %get3A_477 = tpu.vector_load %arg5[%get3A_476] {strides = array<i32>} : memref<16384xf32, #tpu.memory_space<vmem>>, vector<16xf32>,
      %add3A_478 = arith.constant 96 : i32
      %add3A_479 = arith.addi %add3A_453, %add3A_478 : i32
      %get3A_480 = arith.index_cast %add3A_479 : i32 to index
      %get3A_481 = tpu.vector_load %arg5[%get3A_480] {strides = array<i32>} : memref<16384xf32, #tpu.memory_space<vmem>>, vector<16xf32>,
      %add3A_482 = arith.constant 112 : i32
      %add3A_483 = arith.addi %add3A_453, %add3A_482 : i32
      %get3A_484 = arith.index_cast %add3A_483 : i32 to index
      %get3A_485 = tpu.vector_load %arg5[%get3A_484] {strides = array<i32>} : memref<16384xf32, #tpu.memory_space<vmem>>, vector<16xf32>,
      %add3A_486 = arith.addf %get3A_457, %get3A_461 : vector<16xf32>
      %add3A_487 = arith.addf %get3A_465, %get3A_469 : vector<16xf32>
      %add3A_488 = arith.addf %get3A_473, %get3A_477 : vector<16xf32>
      %add3A_489 = arith.addf %get3A_481, %get3A_485 : vector<16xf32>
      %add3A_490 = arith.addf %add3A_486, %add3A_487 : vector<16xf32>
      %add3A_491 = arith.addf %add3A_488, %add3A_489 : vector<16xf32>
      %add3A_492 = arith.addf %add3A_490, %add3A_491 : vector<16xf32>
      %max3A_493 = arith.maximumf %get3A_457, %get3A_461 : vector<16xf32>
      %max3A_494 = arith.maximumf %get3A_465, %get3A_469 : vector<16xf32>
      %max3A_495 = arith.maximumf %get3A_473, %get3A_477 : vector<16xf32>
      %max3A_496 = arith.maximumf %get3A_481, %get3A_485 : vector<16xf32>
      %max3A_497 = arith.maximumf %max3A_493, %max3A_494 : vector<16xf32>
      %max3A_498 = arith.maximumf %max3A_495, %max3A_496 : vector<16xf32>
      %max3A_499 = arith.maximumf %max3A_497, %max3A_498 : vector<16xf32>
      %swap3A_500 = arith.constant 119 : index
      %swap3A_501 = tpu.vector_load %arg6[%swap3A_500] {strides = array<i32>} : memref<272xf32, #tpu.memory_space<vmem>>, vector<16xf32>,
      tpu.vector_store %arg6[%swap3A_500], %add3A_492 {strides = array<i32>} : memref<272xf32, #tpu.memory_space<vmem>>, vector<16xf32>,
      %swap3A_502 = arith.constant 119 : index
      %swap3A_503 = tpu.vector_load %arg7[%swap3A_502] {strides = array<i32>} : memref<272xf32, #tpu.memory_space<vmem>>, vector<16xf32>,
      tpu.vector_store %arg7[%swap3A_502], %max3A_499 {strides = array<i32>} : memref<272xf32, #tpu.memory_space<vmem>>, vector<16xf32>,
      %add3A_504 = arith.constant 1024 : i32
      %add3A_505 = arith.addi %add3A_90, %add3A_504 : i32
      %add3A_506 = arith.constant 0 : i32
      %add3A_507 = arith.addi %add3A_505, %add3A_506 : i32
      %get3A_508 = arith.index_cast %add3A_507 : i32 to index
      %get3A_509 = tpu.vector_load %arg5[%get3A_508] {strides = array<i32>} : memref<16384xf32, #tpu.memory_space<vmem>>, vector<16xf32>,
      %add3A_510 = arith.constant 16 : i32
      %add3A_511 = arith.addi %add3A_505, %add3A_510 : i32
      %get3A_512 = arith.index_cast %add3A_511 : i32 to index
      %get3A_513 = tpu.vector_load %arg5[%get3A_512] {strides = array<i32>} : memref<16384xf32, #tpu.memory_space<vmem>>, vector<16xf32>,
      %add3A_514 = arith.constant 32 : i32
      %add3A_515 = arith.addi %add3A_505, %add3A_514 : i32
      %get3A_516 = arith.index_cast %add3A_515 : i32 to index
      %get3A_517 = tpu.vector_load %arg5[%get3A_516] {strides = array<i32>} : memref<16384xf32, #tpu.memory_space<vmem>>, vector<16xf32>,
      %add3A_518 = arith.constant 48 : i32
      %add3A_519 = arith.addi %add3A_505, %add3A_518 : i32
      %get3A_520 = arith.index_cast %add3A_519 : i32 to index
      %get3A_521 = tpu.vector_load %arg5[%get3A_520] {strides = array<i32>} : memref<16384xf32, #tpu.memory_space<vmem>>, vector<16xf32>,
      %add3A_522 = arith.constant 64 : i32
      %add3A_523 = arith.addi %add3A_505, %add3A_522 : i32
      %get3A_524 = arith.index_cast %add3A_523 : i32 to index
      %get3A_525 = tpu.vector_load %arg5[%get3A_524] {strides = array<i32>} : memref<16384xf32, #tpu.memory_space<vmem>>, vector<16xf32>,
      %add3A_526 = arith.constant 80 : i32
      %add3A_527 = arith.addi %add3A_505, %add3A_526 : i32
      %get3A_528 = arith.index_cast %add3A_527 : i32 to index
      %get3A_529 = tpu.vector_load %arg5[%get3A_528] {strides = array<i32>} : memref<16384xf32, #tpu.memory_space<vmem>>, vector<16xf32>,
      %add3A_530 = arith.constant 96 : i32
      %add3A_531 = arith.addi %add3A_505, %add3A_530 : i32
      %get3A_532 = arith.index_cast %add3A_531 : i32 to index
      %get3A_533 = tpu.vector_load %arg5[%get3A_532] {strides = array<i32>} : memref<16384xf32, #tpu.memory_space<vmem>>, vector<16xf32>,
      %add3A_534 = arith.constant 112 : i32
      %add3A_535 = arith.addi %add3A_505, %add3A_534 : i32
      %get3A_536 = arith.index_cast %add3A_535 : i32 to index
      %get3A_537 = tpu.vector_load %arg5[%get3A_536] {strides = array<i32>} : memref<16384xf32, #tpu.memory_space<vmem>>, vector<16xf32>,
      %add3A_538 = arith.addf %get3A_509, %get3A_513 : vector<16xf32>
      %add3A_539 = arith.addf %get3A_517, %get3A_521 : vector<16xf32>
      %add3A_540 = arith.addf %get3A_525, %get3A_529 : vector<16xf32>
      %add3A_541 = arith.addf %get3A_533, %get3A_537 : vector<16xf32>
      %add3A_542 = arith.addf %add3A_538, %add3A_539 : vector<16xf32>
      %add3A_543 = arith.addf %add3A_540, %add3A_541 : vector<16xf32>
      %add3A_544 = arith.addf %add3A_542, %add3A_543 : vector<16xf32>
      %max3A_545 = arith.maximumf %get3A_509, %get3A_513 : vector<16xf32>
      %max3A_546 = arith.maximumf %get3A_517, %get3A_521 : vector<16xf32>
      %max3A_547 = arith.maximumf %get3A_525, %get3A_529 : vector<16xf32>
      %max3A_548 = arith.maximumf %get3A_533, %get3A_537 : vector<16xf32>
      %max3A_549 = arith.maximumf %max3A_545, %max3A_546 : vector<16xf32>
      %max3A_550 = arith.maximumf %max3A_547, %max3A_548 : vector<16xf32>
      %max3A_551 = arith.maximumf %max3A_549, %max3A_550 : vector<16xf32>
      %swap3A_552 = arith.constant 136 : index
      %swap3A_553 = tpu.vector_load %arg6[%swap3A_552] {strides = array<i32>} : memref<272xf32, #tpu.memory_space<vmem>>, vector<16xf32>,
      tpu.vector_store %arg6[%swap3A_552], %add3A_544 {strides = array<i32>} : memref<272xf32, #tpu.memory_space<vmem>>, vector<16xf32>,
      %swap3A_554 = arith.constant 136 : index
      %swap3A_555 = tpu.vector_load %arg7[%swap3A_554] {strides = array<i32>} : memref<272xf32, #tpu.memory_space<vmem>>, vector<16xf32>,
      tpu.vector_store %arg7[%swap3A_554], %max3A_551 {strides = array<i32>} : memref<272xf32, #tpu.memory_space<vmem>>, vector<16xf32>,
      %add3A_556 = arith.constant 1152 : i32
      %add3A_557 = arith.addi %add3A_90, %add3A_556 : i32
      %add3A_558 = arith.constant 0 : i32
      %add3A_559 = arith.addi %add3A_557, %add3A_558 : i32
      %get3A_560 = arith.index_cast %add3A_559 : i32 to index
      %get3A_561 = tpu.vector_load %arg5[%get3A_560] {strides = array<i32>} : memref<16384xf32, #tpu.memory_space<vmem>>, vector<16xf32>,
      %add3A_562 = arith.constant 16 : i32
      %add3A_563 = arith.addi %add3A_557, %add3A_562 : i32
      %get3A_564 = arith.index_cast %add3A_563 : i32 to index
      %get3A_565 = tpu.vector_load %arg5[%get3A_564] {strides = array<i32>} : memref<16384xf32, #tpu.memory_space<vmem>>, vector<16xf32>,
      %add3A_566 = arith.constant 32 : i32
      %add3A_567 = arith.addi %add3A_557, %add3A_566 : i32
      %get3A_568 = arith.index_cast %add3A_567 : i32 to index
      %get3A_569 = tpu.vector_load %arg5[%get3A_568] {strides = array<i32>} : memref<16384xf32, #tpu.memory_space<vmem>>, vector<16xf32>,
      %add3A_570 = arith.constant 48 : i32
      %add3A_571 = arith.addi %add3A_557, %add3A_570 : i32
      %get3A_572 = arith.index_cast %add3A_571 : i32 to index
      %get3A_573 = tpu.vector_load %arg5[%get3A_572] {strides = array<i32>} : memref<16384xf32, #tpu.memory_space<vmem>>, vector<16xf32>,
      %add3A_574 = arith.constant 64 : i32
      %add3A_575 = arith.addi %add3A_557, %add3A_574 : i32
      %get3A_576 = arith.index_cast %add3A_575 : i32 to index
      %get3A_577 = tpu.vector_load %arg5[%get3A_576] {strides = array<i32>} : memref<16384xf32, #tpu.memory_space<vmem>>, vector<16xf32>,
      %add3A_578 = arith.constant 80 : i32
      %add3A_579 = arith.addi %add3A_557, %add3A_578 : i32
      %get3A_580 = arith.index_cast %add3A_579 : i32 to index
      %get3A_581 = tpu.vector_load %arg5[%get3A_580] {strides = array<i32>} : memref<16384xf32, #tpu.memory_space<vmem>>, vector<16xf32>,
      %add3A_582 = arith.constant 96 : i32
      %add3A_583 = arith.addi %add3A_557, %add3A_582 : i32
      %get3A_584 = arith.index_cast %add3A_583 : i32 to index
      %get3A_585 = tpu.vector_load %arg5[%get3A_584] {strides = array<i32>} : memref<16384xf32, #tpu.memory_space<vmem>>, vector<16xf32>,
      %add3A_586 = arith.constant 112 : i32
      %add3A_587 = arith.addi %add3A_557, %add3A_586 : i32
      %get3A_588 = arith.index_cast %add3A_587 : i32 to index
      %get3A_589 = tpu.vector_load %arg5[%get3A_588] {strides = array<i32>} : memref<16384xf32, #tpu.memory_space<vmem>>, vector<16xf32>,
      %add3A_590 = arith.addf %get3A_561, %get3A_565 : vector<16xf32>
      %add3A_591 = arith.addf %get3A_569, %get3A_573 : vector<16xf32>
      %add3A_592 = arith.addf %get3A_577, %get3A_581 : vector<16xf32>
      %add3A_593 = arith.addf %get3A_585, %get3A_589 : vector<16xf32>
      %add3A_594 = arith.addf %add3A_590, %add3A_591 : vector<16xf32>
      %add3A_595 = arith.addf %add3A_592, %add3A_593 : vector<16xf32>
      %add3A_596 = arith.addf %add3A_594, %add3A_595 : vector<16xf32>
      %max3A_597 = arith.maximumf %get3A_561, %get3A_565 : vector<16xf32>
      %max3A_598 = arith.maximumf %get3A_569, %get3A_573 : vector<16xf32>
      %max3A_599 = arith.maximumf %get3A_577, %get3A_581 : vector<16xf32>
      %max3A_600 = arith.maximumf %get3A_585, %get3A_589 : vector<16xf32>
      %max3A_601 = arith.maximumf %max3A_597, %max3A_598 : vector<16xf32>
      %max3A_602 = arith.maximumf %max3A_599, %max3A_600 : vector<16xf32>
      %max3A_603 = arith.maximumf %max3A_601, %max3A_602 : vector<16xf32>
      %swap3A_604 = arith.constant 153 : index
      %swap3A_605 = tpu.vector_load %arg6[%swap3A_604] {strides = array<i32>} : memref<272xf32, #tpu.memory_space<vmem>>, vector<16xf32>,
      tpu.vector_store %arg6[%swap3A_604], %add3A_596 {strides = array<i32>} : memref<272xf32, #tpu.memory_space<vmem>>, vector<16xf32>,
      %swap3A_606 = arith.constant 153 : index
      %swap3A_607 = tpu.vector_load %arg7[%swap3A_606] {strides = array<i32>} : memref<272xf32, #tpu.memory_space<vmem>>, vector<16xf32>,
      tpu.vector_store %arg7[%swap3A_606], %max3A_603 {strides = array<i32>} : memref<272xf32, #tpu.memory_space<vmem>>, vector<16xf32>,
      %add3A_608 = arith.constant 1280 : i32
      %add3A_609 = arith.addi %add3A_90, %add3A_608 : i32
      %add3A_610 = arith.constant 0 : i32
      %add3A_611 = arith.addi %add3A_609, %add3A_610 : i32
      %get3A_612 = arith.index_cast %add3A_611 : i32 to index
      %get3A_613 = tpu.vector_load %arg5[%get3A_612] {strides = array<i32>} : memref<16384xf32, #tpu.memory_space<vmem>>, vector<16xf32>,
      %add3A_614 = arith.constant 16 : i32
      %add3A_615 = arith.addi %add3A_609, %add3A_614 : i32
      %get3A_616 = arith.index_cast %add3A_615 : i32 to index
      %get3A_617 = tpu.vector_load %arg5[%get3A_616] {strides = array<i32>} : memref<16384xf32, #tpu.memory_space<vmem>>, vector<16xf32>,
      %add3A_618 = arith.constant 32 : i32
      %add3A_619 = arith.addi %add3A_609, %add3A_618 : i32
      %get3A_620 = arith.index_cast %add3A_619 : i32 to index
      %get3A_621 = tpu.vector_load %arg5[%get3A_620] {strides = array<i32>} : memref<16384xf32, #tpu.memory_space<vmem>>, vector<16xf32>,
      %add3A_622 = arith.constant 48 : i32
      %add3A_623 = arith.addi %add3A_609, %add3A_622 : i32
      %get3A_624 = arith.index_cast %add3A_623 : i32 to index
      %get3A_625 = tpu.vector_load %arg5[%get3A_624] {strides = array<i32>} : memref<16384xf32, #tpu.memory_space<vmem>>, vector<16xf32>,
      %add3A_626 = arith.constant 64 : i32
      %add3A_627 = arith.addi %add3A_609, %add3A_626 : i32
      %get3A_628 = arith.index_cast %add3A_627 : i32 to index
      %get3A_629 = tpu.vector_load %arg5[%get3A_628] {strides = array<i32>} : memref<16384xf32, #tpu.memory_space<vmem>>, vector<16xf32>,
      %add3A_630 = arith.constant 80 : i32
      %add3A_631 = arith.addi %add3A_609, %add3A_630 : i32
      %get3A_632 = arith.index_cast %add3A_631 : i32 to index
      %get3A_633 = tpu.vector_load %arg5[%get3A_632] {strides = array<i32>} : memref<16384xf32, #tpu.memory_space<vmem>>, vector<16xf32>,
      %add3A_634 = arith.constant 96 : i32
      %add3A_635 = arith.addi %add3A_609, %add3A_634 : i32
      %get3A_636 = arith.index_cast %add3A_635 : i32 to index
      %get3A_637 = tpu.vector_load %arg5[%get3A_636] {strides = array<i32>} : memref<16384xf32, #tpu.memory_space<vmem>>, vector<16xf32>,
      %add3A_638 = arith.constant 112 : i32
      %add3A_639 = arith.addi %add3A_609, %add3A_638 : i32
      %get3A_640 = arith.index_cast %add3A_639 : i32 to index
      %get3A_641 = tpu.vector_load %arg5[%get3A_640] {strides = array<i32>} : memref<16384xf32, #tpu.memory_space<vmem>>, vector<16xf32>,
      %add3A_642 = arith.addf %get3A_613, %get3A_617 : vector<16xf32>
      %add3A_643 = arith.addf %get3A_621, %get3A_625 : vector<16xf32>
      %add3A_644 = arith.addf %get3A_629, %get3A_633 : vector<16xf32>
      %add3A_645 = arith.addf %get3A_637, %get3A_641 : vector<16xf32>
      %add3A_646 = arith.addf %add3A_642, %add3A_643 : vector<16xf32>
      %add3A_647 = arith.addf %add3A_644, %add3A_645 : vector<16xf32>
      %add3A_648 = arith.addf %add3A_646, %add3A_647 : vector<16xf32>
      %max3A_649 = arith.maximumf %get3A_613, %get3A_617 : vector<16xf32>
      %max3A_650 = arith.maximumf %get3A_621, %get3A_625 : vector<16xf32>
      %max3A_651 = arith.maximumf %get3A_629, %get3A_633 : vector<16xf32>
      %max3A_652 = arith.maximumf %get3A_637, %get3A_641 : vector<16xf32>
      %max3A_653 = arith.maximumf %max3A_649, %max3A_650 : vector<16xf32>
      %max3A_654 = arith.maximumf %max3A_651, %max3A_652 : vector<16xf32>
      %max3A_655 = arith.maximumf %max3A_653, %max3A_654 : vector<16xf32>
      %swap3A_656 = arith.constant 170 : index
      %swap3A_657 = tpu.vector_load %arg6[%swap3A_656] {strides = array<i32>} : memref<272xf32, #tpu.memory_space<vmem>>, vector<16xf32>,
      tpu.vector_store %arg6[%swap3A_656], %add3A_648 {strides = array<i32>} : memref<272xf32, #tpu.memory_space<vmem>>, vector<16xf32>,
      %swap3A_658 = arith.constant 170 : index
      %swap3A_659 = tpu.vector_load %arg7[%swap3A_658] {strides = array<i32>} : memref<272xf32, #tpu.memory_space<vmem>>, vector<16xf32>,
      tpu.vector_store %arg7[%swap3A_658], %max3A_655 {strides = array<i32>} : memref<272xf32, #tpu.memory_space<vmem>>, vector<16xf32>,
      %add3A_660 = arith.constant 1408 : i32
      %add3A_661 = arith.addi %add3A_90, %add3A_660 : i32
      %add3A_662 = arith.constant 0 : i32
      %add3A_663 = arith.addi %add3A_661, %add3A_662 : i32
      %get3A_664 = arith.index_cast %add3A_663 : i32 to index
      %get3A_665 = tpu.vector_load %arg5[%get3A_664] {strides = array<i32>} : memref<16384xf32, #tpu.memory_space<vmem>>, vector<16xf32>,
      %add3A_666 = arith.constant 16 : i32
      %add3A_667 = arith.addi %add3A_661, %add3A_666 : i32
      %get3A_668 = arith.index_cast %add3A_667 : i32 to index
      %get3A_669 = tpu.vector_load %arg5[%get3A_668] {strides = array<i32>} : memref<16384xf32, #tpu.memory_space<vmem>>, vector<16xf32>,
      %add3A_670 = arith.constant 32 : i32
      %add3A_671 = arith.addi %add3A_661, %add3A_670 : i32
      %get3A_672 = arith.index_cast %add3A_671 : i32 to index
      %get3A_673 = tpu.vector_load %arg5[%get3A_672] {strides = array<i32>} : memref<16384xf32, #tpu.memory_space<vmem>>, vector<16xf32>,
      %add3A_674 = arith.constant 48 : i32
      %add3A_675 = arith.addi %add3A_661, %add3A_674 : i32
      %get3A_676 = arith.index_cast %add3A_675 : i32 to index
      %get3A_677 = tpu.vector_load %arg5[%get3A_676] {strides = array<i32>} : memref<16384xf32, #tpu.memory_space<vmem>>, vector<16xf32>,
      %add3A_678 = arith.constant 64 : i32
      %add3A_679 = arith.addi %add3A_661, %add3A_678 : i32
      %get3A_680 = arith.index_cast %add3A_679 : i32 to index
      %get3A_681 = tpu.vector_load %arg5[%get3A_680] {strides = array<i32>} : memref<16384xf32, #tpu.memory_space<vmem>>, vector<16xf32>,
      %add3A_682 = arith.constant 80 : i32
      %add3A_683 = arith.addi %add3A_661, %add3A_682 : i32
      %get3A_684 = arith.index_cast %add3A_683 : i32 to index
      %get3A_685 = tpu.vector_load %arg5[%get3A_684] {strides = array<i32>} : memref<16384xf32, #tpu.memory_space<vmem>>, vector<16xf32>,
      %add3A_686 = arith.constant 96 : i32
      %add3A_687 = arith.addi %add3A_661, %add3A_686 : i32
      %get3A_688 = arith.index_cast %add3A_687 : i32 to index
      %get3A_689 = tpu.vector_load %arg5[%get3A_688] {strides = array<i32>} : memref<16384xf32, #tpu.memory_space<vmem>>, vector<16xf32>,
      %add3A_690 = arith.constant 112 : i32
      %add3A_691 = arith.addi %add3A_661, %add3A_690 : i32
      %get3A_692 = arith.index_cast %add3A_691 : i32 to index
      %get3A_693 = tpu.vector_load %arg5[%get3A_692] {strides = array<i32>} : memref<16384xf32, #tpu.memory_space<vmem>>, vector<16xf32>,
      %add3A_694 = arith.addf %get3A_665, %get3A_669 : vector<16xf32>
      %add3A_695 = arith.addf %get3A_673, %get3A_677 : vector<16xf32>
      %add3A_696 = arith.addf %get3A_681, %get3A_685 : vector<16xf32>
      %add3A_697 = arith.addf %get3A_689, %get3A_693 : vector<16xf32>
      %add3A_698 = arith.addf %add3A_694, %add3A_695 : vector<16xf32>
      %add3A_699 = arith.addf %add3A_696, %add3A_697 : vector<16xf32>
      %add3A_700 = arith.addf %add3A_698, %add3A_699 : vector<16xf32>
      %max3A_701 = arith.maximumf %get3A_665, %get3A_669 : vector<16xf32>
      %max3A_702 = arith.maximumf %get3A_673, %get3A_677 : vector<16xf32>
      %max3A_703 = arith.maximumf %get3A_681, %get3A_685 : vector<16xf32>
      %max3A_704 = arith.maximumf %get3A_689, %get3A_693 : vector<16xf32>
      %max3A_705 = arith.maximumf %max3A_701, %max3A_702 : vector<16xf32>
      %max3A_706 = arith.maximumf %max3A_703, %max3A_704 : vector<16xf32>
      %max3A_707 = arith.maximumf %max3A_705, %max3A_706 : vector<16xf32>
      %swap3A_708 = arith.constant 187 : index
      %swap3A_709 = tpu.vector_load %arg6[%swap3A_708] {strides = array<i32>} : memref<272xf32, #tpu.memory_space<vmem>>, vector<16xf32>,
      tpu.vector_store %arg6[%swap3A_708], %add3A_700 {strides = array<i32>} : memref<272xf32, #tpu.memory_space<vmem>>, vector<16xf32>,
      %swap3A_710 = arith.constant 187 : index
      %swap3A_711 = tpu.vector_load %arg7[%swap3A_710] {strides = array<i32>} : memref<272xf32, #tpu.memory_space<vmem>>, vector<16xf32>,
      tpu.vector_store %arg7[%swap3A_710], %max3A_707 {strides = array<i32>} : memref<272xf32, #tpu.memory_space<vmem>>, vector<16xf32>,
      %add3A_712 = arith.constant 1536 : i32
      %add3A_713 = arith.addi %add3A_90, %add3A_712 : i32
      %add3A_714 = arith.constant 0 : i32
      %add3A_715 = arith.addi %add3A_713, %add3A_714 : i32
      %get3A_716 = arith.index_cast %add3A_715 : i32 to index
      %get3A_717 = tpu.vector_load %arg5[%get3A_716] {strides = array<i32>} : memref<16384xf32, #tpu.memory_space<vmem>>, vector<16xf32>,
      %add3A_718 = arith.constant 16 : i32
      %add3A_719 = arith.addi %add3A_713, %add3A_718 : i32
      %get3A_720 = arith.index_cast %add3A_719 : i32 to index
      %get3A_721 = tpu.vector_load %arg5[%get3A_720] {strides = array<i32>} : memref<16384xf32, #tpu.memory_space<vmem>>, vector<16xf32>,
      %add3A_722 = arith.constant 32 : i32
      %add3A_723 = arith.addi %add3A_713, %add3A_722 : i32
      %get3A_724 = arith.index_cast %add3A_723 : i32 to index
      %get3A_725 = tpu.vector_load %arg5[%get3A_724] {strides = array<i32>} : memref<16384xf32, #tpu.memory_space<vmem>>, vector<16xf32>,
      %add3A_726 = arith.constant 48 : i32
      %add3A_727 = arith.addi %add3A_713, %add3A_726 : i32
      %get3A_728 = arith.index_cast %add3A_727 : i32 to index
      %get3A_729 = tpu.vector_load %arg5[%get3A_728] {strides = array<i32>} : memref<16384xf32, #tpu.memory_space<vmem>>, vector<16xf32>,
      %add3A_730 = arith.constant 64 : i32
      %add3A_731 = arith.addi %add3A_713, %add3A_730 : i32
      %get3A_732 = arith.index_cast %add3A_731 : i32 to index
      %get3A_733 = tpu.vector_load %arg5[%get3A_732] {strides = array<i32>} : memref<16384xf32, #tpu.memory_space<vmem>>, vector<16xf32>,
      %add3A_734 = arith.constant 80 : i32
      %add3A_735 = arith.addi %add3A_713, %add3A_734 : i32
      %get3A_736 = arith.index_cast %add3A_735 : i32 to index
      %get3A_737 = tpu.vector_load %arg5[%get3A_736] {strides = array<i32>} : memref<16384xf32, #tpu.memory_space<vmem>>, vector<16xf32>,
      %add3A_738 = arith.constant 96 : i32
      %add3A_739 = arith.addi %add3A_713, %add3A_738 : i32
      %get3A_740 = arith.index_cast %add3A_739 : i32 to index
      %get3A_741 = tpu.vector_load %arg5[%get3A_740] {strides = array<i32>} : memref<16384xf32, #tpu.memory_space<vmem>>, vector<16xf32>,
      %add3A_742 = arith.constant 112 : i32
      %add3A_743 = arith.addi %add3A_713, %add3A_742 : i32
      %get3A_744 = arith.index_cast %add3A_743 : i32 to index
      %get3A_745 = tpu.vector_load %arg5[%get3A_744] {strides = array<i32>} : memref<16384xf32, #tpu.memory_space<vmem>>, vector<16xf32>,
      %add3A_746 = arith.addf %get3A_717, %get3A_721 : vector<16xf32>
      %add3A_747 = arith.addf %get3A_725, %get3A_729 : vector<16xf32>
      %add3A_748 = arith.addf %get3A_733, %get3A_737 : vector<16xf32>
      %add3A_749 = arith.addf %get3A_741, %get3A_745 : vector<16xf32>
      %add3A_750 = arith.addf %add3A_746, %add3A_747 : vector<16xf32>
      %add3A_751 = arith.addf %add3A_748, %add3A_749 : vector<16xf32>
      %add3A_752 = arith.addf %add3A_750, %add3A_751 : vector<16xf32>
      %max3A_753 = arith.maximumf %get3A_717, %get3A_721 : vector<16xf32>
      %max3A_754 = arith.maximumf %get3A_725, %get3A_729 : vector<16xf32>
      %max3A_755 = arith.maximumf %get3A_733, %get3A_737 : vector<16xf32>
      %max3A_756 = arith.maximumf %get3A_741, %get3A_745 : vector<16xf32>
      %max3A_757 = arith.maximumf %max3A_753, %max3A_754 : vector<16xf32>
      %max3A_758 = arith.maximumf %max3A_755, %max3A_756 : vector<16xf32>
      %max3A_759 = arith.maximumf %max3A_757, %max3A_758 : vector<16xf32>
      %swap3A_760 = arith.constant 204 : index
      %swap3A_761 = tpu.vector_load %arg6[%swap3A_760] {strides = array<i32>} : memref<272xf32, #tpu.memory_space<vmem>>, vector<16xf32>,
      tpu.vector_store %arg6[%swap3A_760], %add3A_752 {strides = array<i32>} : memref<272xf32, #tpu.memory_space<vmem>>, vector<16xf32>,
      %swap3A_762 = arith.constant 204 : index
      %swap3A_763 = tpu.vector_load %arg7[%swap3A_762] {strides = array<i32>} : memref<272xf32, #tpu.memory_space<vmem>>, vector<16xf32>,
      tpu.vector_store %arg7[%swap3A_762], %max3A_759 {strides = array<i32>} : memref<272xf32, #tpu.memory_space<vmem>>, vector<16xf32>,
      %add3A_764 = arith.constant 1664 : i32
      %add3A_765 = arith.addi %add3A_90, %add3A_764 : i32
      %add3A_766 = arith.constant 0 : i32
      %add3A_767 = arith.addi %add3A_765, %add3A_766 : i32
      %get3A_768 = arith.index_cast %add3A_767 : i32 to index
      %get3A_769 = tpu.vector_load %arg5[%get3A_768] {strides = array<i32>} : memref<16384xf32, #tpu.memory_space<vmem>>, vector<16xf32>,
      %add3A_770 = arith.constant 16 : i32
      %add3A_771 = arith.addi %add3A_765, %add3A_770 : i32
      %get3A_772 = arith.index_cast %add3A_771 : i32 to index
      %get3A_773 = tpu.vector_load %arg5[%get3A_772] {strides = array<i32>} : memref<16384xf32, #tpu.memory_space<vmem>>, vector<16xf32>,
      %add3A_774 = arith.constant 32 : i32
      %add3A_775 = arith.addi %add3A_765, %add3A_774 : i32
      %get3A_776 = arith.index_cast %add3A_775 : i32 to index
      %get3A_777 = tpu.vector_load %arg5[%get3A_776] {strides = array<i32>} : memref<16384xf32, #tpu.memory_space<vmem>>, vector<16xf32>,
      %add3A_778 = arith.constant 48 : i32
      %add3A_779 = arith.addi %add3A_765, %add3A_778 : i32
      %get3A_780 = arith.index_cast %add3A_779 : i32 to index
      %get3A_781 = tpu.vector_load %arg5[%get3A_780] {strides = array<i32>} : memref<16384xf32, #tpu.memory_space<vmem>>, vector<16xf32>,
      %add3A_782 = arith.constant 64 : i32
      %add3A_783 = arith.addi %add3A_765, %add3A_782 : i32
      %get3A_784 = arith.index_cast %add3A_783 : i32 to index
      %get3A_785 = tpu.vector_load %arg5[%get3A_784] {strides = array<i32>} : memref<16384xf32, #tpu.memory_space<vmem>>, vector<16xf32>,
      %add3A_786 = arith.constant 80 : i32
      %add3A_787 = arith.addi %add3A_765, %add3A_786 : i32
      %get3A_788 = arith.index_cast %add3A_787 : i32 to index
      %get3A_789 = tpu.vector_load %arg5[%get3A_788] {strides = array<i32>} : memref<16384xf32, #tpu.memory_space<vmem>>, vector<16xf32>,
      %add3A_790 = arith.constant 96 : i32
      %add3A_791 = arith.addi %add3A_765, %add3A_790 : i32
      %get3A_792 = arith.index_cast %add3A_791 : i32 to index
      %get3A_793 = tpu.vector_load %arg5[%get3A_792] {strides = array<i32>} : memref<16384xf32, #tpu.memory_space<vmem>>, vector<16xf32>,
      %add3A_794 = arith.constant 112 : i32
      %add3A_795 = arith.addi %add3A_765, %add3A_794 : i32
      %get3A_796 = arith.index_cast %add3A_795 : i32 to index
      %get3A_797 = tpu.vector_load %arg5[%get3A_796] {strides = array<i32>} : memref<16384xf32, #tpu.memory_space<vmem>>, vector<16xf32>,
      %add3A_798 = arith.addf %get3A_769, %get3A_773 : vector<16xf32>
      %add3A_799 = arith.addf %get3A_777, %get3A_781 : vector<16xf32>
      %add3A_800 = arith.addf %get3A_785, %get3A_789 : vector<16xf32>
      %add3A_801 = arith.addf %get3A_793, %get3A_797 : vector<16xf32>
      %add3A_802 = arith.addf %add3A_798, %add3A_799 : vector<16xf32>
      %add3A_803 = arith.addf %add3A_800, %add3A_801 : vector<16xf32>
      %add3A_804 = arith.addf %add3A_802, %add3A_803 : vector<16xf32>
      %max3A_805 = arith.maximumf %get3A_769, %get3A_773 : vector<16xf32>
      %max3A_806 = arith.maximumf %get3A_777, %get3A_781 : vector<16xf32>
      %max3A_807 = arith.maximumf %get3A_785, %get3A_789 : vector<16xf32>
      %max3A_808 = arith.maximumf %get3A_793, %get3A_797 : vector<16xf32>
      %max3A_809 = arith.maximumf %max3A_805, %max3A_806 : vector<16xf32>
      %max3A_810 = arith.maximumf %max3A_807, %max3A_808 : vector<16xf32>
      %max3A_811 = arith.maximumf %max3A_809, %max3A_810 : vector<16xf32>
      %swap3A_812 = arith.constant 221 : index
      %swap3A_813 = tpu.vector_load %arg6[%swap3A_812] {strides = array<i32>} : memref<272xf32, #tpu.memory_space<vmem>>, vector<16xf32>,
      tpu.vector_store %arg6[%swap3A_812], %add3A_804 {strides = array<i32>} : memref<272xf32, #tpu.memory_space<vmem>>, vector<16xf32>,
      %swap3A_814 = arith.constant 221 : index
      %swap3A_815 = tpu.vector_load %arg7[%swap3A_814] {strides = array<i32>} : memref<272xf32, #tpu.memory_space<vmem>>, vector<16xf32>,
      tpu.vector_store %arg7[%swap3A_814], %max3A_811 {strides = array<i32>} : memref<272xf32, #tpu.memory_space<vmem>>, vector<16xf32>,
      %add3A_816 = arith.constant 1792 : i32
      %add3A_817 = arith.addi %add3A_90, %add3A_816 : i32
      %add3A_818 = arith.constant 0 : i32
      %add3A_819 = arith.addi %add3A_817, %add3A_818 : i32
      %get3A_820 = arith.index_cast %add3A_819 : i32 to index
      %get3A_821 = tpu.vector_load %arg5[%get3A_820] {strides = array<i32>} : memref<16384xf32, #tpu.memory_space<vmem>>, vector<16xf32>,
      %add3A_822 = arith.constant 16 : i32
      %add3A_823 = arith.addi %add3A_817, %add3A_822 : i32
      %get3A_824 = arith.index_cast %add3A_823 : i32 to index
      %get3A_825 = tpu.vector_load %arg5[%get3A_824] {strides = array<i32>} : memref<16384xf32, #tpu.memory_space<vmem>>, vector<16xf32>,
      %add3A_826 = arith.constant 32 : i32
      %add3A_827 = arith.addi %add3A_817, %add3A_826 : i32
      %get3A_828 = arith.index_cast %add3A_827 : i32 to index
      %get3A_829 = tpu.vector_load %arg5[%get3A_828] {strides = array<i32>} : memref<16384xf32, #tpu.memory_space<vmem>>, vector<16xf32>,
      %add3A_830 = arith.constant 48 : i32
      %add3A_831 = arith.addi %add3A_817, %add3A_830 : i32
      %get3A_832 = arith.index_cast %add3A_831 : i32 to index
      %get3A_833 = tpu.vector_load %arg5[%get3A_832] {strides = array<i32>} : memref<16384xf32, #tpu.memory_space<vmem>>, vector<16xf32>,
      %add3A_834 = arith.constant 64 : i32
      %add3A_835 = arith.addi %add3A_817, %add3A_834 : i32
      %get3A_836 = arith.index_cast %add3A_835 : i32 to index
      %get3A_837 = tpu.vector_load %arg5[%get3A_836] {strides = array<i32>} : memref<16384xf32, #tpu.memory_space<vmem>>, vector<16xf32>,
      %add3A_838 = arith.constant 80 : i32
      %add3A_839 = arith.addi %add3A_817, %add3A_838 : i32
      %get3A_840 = arith.index_cast %add3A_839 : i32 to index
      %get3A_841 = tpu.vector_load %arg5[%get3A_840] {strides = array<i32>} : memref<16384xf32, #tpu.memory_space<vmem>>, vector<16xf32>,
      %add3A_842 = arith.constant 96 : i32
      %add3A_843 = arith.addi %add3A_817, %add3A_842 : i32
      %get3A_844 = arith.index_cast %add3A_843 : i32 to index
      %get3A_845 = tpu.vector_load %arg5[%get3A_844] {strides = array<i32>} : memref<16384xf32, #tpu.memory_space<vmem>>, vector<16xf32>,
      %add3A_846 = arith.constant 112 : i32
      %add3A_847 = arith.addi %add3A_817, %add3A_846 : i32
      %get3A_848 = arith.index_cast %add3A_847 : i32 to index
      %get3A_849 = tpu.vector_load %arg5[%get3A_848] {strides = array<i32>} : memref<16384xf32, #tpu.memory_space<vmem>>, vector<16xf32>,
      %add3A_850 = arith.addf %get3A_821, %get3A_825 : vector<16xf32>
      %add3A_851 = arith.addf %get3A_829, %get3A_833 : vector<16xf32>
      %add3A_852 = arith.addf %get3A_837, %get3A_841 : vector<16xf32>
      %add3A_853 = arith.addf %get3A_845, %get3A_849 : vector<16xf32>
      %add3A_854 = arith.addf %add3A_850, %add3A_851 : vector<16xf32>
      %add3A_855 = arith.addf %add3A_852, %add3A_853 : vector<16xf32>
      %add3A_856 = arith.addf %add3A_854, %add3A_855 : vector<16xf32>
      %max3A_857 = arith.maximumf %get3A_821, %get3A_825 : vector<16xf32>
      %max3A_858 = arith.maximumf %get3A_829, %get3A_833 : vector<16xf32>
      %max3A_859 = arith.maximumf %get3A_837, %get3A_841 : vector<16xf32>
      %max3A_860 = arith.maximumf %get3A_845, %get3A_849 : vector<16xf32>
      %max3A_861 = arith.maximumf %max3A_857, %max3A_858 : vector<16xf32>
      %max3A_862 = arith.maximumf %max3A_859, %max3A_860 : vector<16xf32>
      %max3A_863 = arith.maximumf %max3A_861, %max3A_862 : vector<16xf32>
      %swap3A_864 = arith.constant 238 : index
      %swap3A_865 = tpu.vector_load %arg6[%swap3A_864] {strides = array<i32>} : memref<272xf32, #tpu.memory_space<vmem>>, vector<16xf32>,
      tpu.vector_store %arg6[%swap3A_864], %add3A_856 {strides = array<i32>} : memref<272xf32, #tpu.memory_space<vmem>>, vector<16xf32>,
      %swap3A_866 = arith.constant 238 : index
      %swap3A_867 = tpu.vector_load %arg7[%swap3A_866] {strides = array<i32>} : memref<272xf32, #tpu.memory_space<vmem>>, vector<16xf32>,
      tpu.vector_store %arg7[%swap3A_866], %max3A_863 {strides = array<i32>} : memref<272xf32, #tpu.memory_space<vmem>>, vector<16xf32>,
      %add3A_868 = arith.constant 1920 : i32
      %add3A_869 = arith.addi %add3A_90, %add3A_868 : i32
      %add3A_870 = arith.constant 0 : i32
      %add3A_871 = arith.addi %add3A_869, %add3A_870 : i32
      %get3A_872 = arith.index_cast %add3A_871 : i32 to index
      %get3A_873 = tpu.vector_load %arg5[%get3A_872] {strides = array<i32>} : memref<16384xf32, #tpu.memory_space<vmem>>, vector<16xf32>,
      %add3A_874 = arith.constant 16 : i32
      %add3A_875 = arith.addi %add3A_869, %add3A_874 : i32
      %get3A_876 = arith.index_cast %add3A_875 : i32 to index
      %get3A_877 = tpu.vector_load %arg5[%get3A_876] {strides = array<i32>} : memref<16384xf32, #tpu.memory_space<vmem>>, vector<16xf32>,
      %add3A_878 = arith.constant 32 : i32
      %add3A_879 = arith.addi %add3A_869, %add3A_878 : i32
      %get3A_880 = arith.index_cast %add3A_879 : i32 to index
      %get3A_881 = tpu.vector_load %arg5[%get3A_880] {strides = array<i32>} : memref<16384xf32, #tpu.memory_space<vmem>>, vector<16xf32>,
      %add3A_882 = arith.constant 48 : i32
      %add3A_883 = arith.addi %add3A_869, %add3A_882 : i32
      %get3A_884 = arith.index_cast %add3A_883 : i32 to index
      %get3A_885 = tpu.vector_load %arg5[%get3A_884] {strides = array<i32>} : memref<16384xf32, #tpu.memory_space<vmem>>, vector<16xf32>,
      %add3A_886 = arith.constant 64 : i32
      %add3A_887 = arith.addi %add3A_869, %add3A_886 : i32
      %get3A_888 = arith.index_cast %add3A_887 : i32 to index
      %get3A_889 = tpu.vector_load %arg5[%get3A_888] {strides = array<i32>} : memref<16384xf32, #tpu.memory_space<vmem>>, vector<16xf32>,
      %add3A_890 = arith.constant 80 : i32
      %add3A_891 = arith.addi %add3A_869, %add3A_890 : i32
      %get3A_892 = arith.index_cast %add3A_891 : i32 to index
      %get3A_893 = tpu.vector_load %arg5[%get3A_892] {strides = array<i32>} : memref<16384xf32, #tpu.memory_space<vmem>>, vector<16xf32>,
      %add3A_894 = arith.constant 96 : i32
      %add3A_895 = arith.addi %add3A_869, %add3A_894 : i32
      %get3A_896 = arith.index_cast %add3A_895 : i32 to index
      %get3A_897 = tpu.vector_load %arg5[%get3A_896] {strides = array<i32>} : memref<16384xf32, #tpu.memory_space<vmem>>, vector<16xf32>,
      %add3A_898 = arith.constant 112 : i32
      %add3A_899 = arith.addi %add3A_869, %add3A_898 : i32
      %get3A_900 = arith.index_cast %add3A_899 : i32 to index
      %get3A_901 = tpu.vector_load %arg5[%get3A_900] {strides = array<i32>} : memref<16384xf32, #tpu.memory_space<vmem>>, vector<16xf32>,
      %add3A_902 = arith.addf %get3A_873, %get3A_877 : vector<16xf32>
      %add3A_903 = arith.addf %get3A_881, %get3A_885 : vector<16xf32>
      %add3A_904 = arith.addf %get3A_889, %get3A_893 : vector<16xf32>
      %add3A_905 = arith.addf %get3A_897, %get3A_901 : vector<16xf32>
      %add3A_906 = arith.addf %add3A_902, %add3A_903 : vector<16xf32>
      %add3A_907 = arith.addf %add3A_904, %add3A_905 : vector<16xf32>
      %add3A_908 = arith.addf %add3A_906, %add3A_907 : vector<16xf32>
      %max3A_909 = arith.maximumf %get3A_873, %get3A_877 : vector<16xf32>
      %max3A_910 = arith.maximumf %get3A_881, %get3A_885 : vector<16xf32>
      %max3A_911 = arith.maximumf %get3A_889, %get3A_893 : vector<16xf32>
      %max3A_912 = arith.maximumf %get3A_897, %get3A_901 : vector<16xf32>
      %max3A_913 = arith.maximumf %max3A_909, %max3A_910 : vector<16xf32>
      %max3A_914 = arith.maximumf %max3A_911, %max3A_912 : vector<16xf32>
      %max3A_915 = arith.maximumf %max3A_913, %max3A_914 : vector<16xf32>
      %swap3A_916 = arith.constant 255 : index
      %swap3A_917 = tpu.vector_load %arg6[%swap3A_916] {strides = array<i32>} : memref<272xf32, #tpu.memory_space<vmem>>, vector<16xf32>,
      tpu.vector_store %arg6[%swap3A_916], %add3A_908 {strides = array<i32>} : memref<272xf32, #tpu.memory_space<vmem>>, vector<16xf32>,
      %swap3A_918 = arith.constant 255 : index
      %swap3A_919 = tpu.vector_load %arg7[%swap3A_918] {strides = array<i32>} : memref<272xf32, #tpu.memory_space<vmem>>, vector<16xf32>,
      tpu.vector_store %arg7[%swap3A_918], %max3A_915 {strides = array<i32>} : memref<272xf32, #tpu.memory_space<vmem>>, vector<16xf32>,
      %add3A_920 = arith.constant 0 : i32
      %add3A_921 = vector.broadcast %add3A_920 : i32 to vector<16xi32>
      %add3A_922 = arith.addi %mul3A_5, %add3A_921 : vector<16xi32>
      %gather3A = tpu.vector_load_idx %arg6[%add3A_922] : memref<272xf32, #tpu.memory_space<vmem>>[vector<16xi32>], vector<16xf32>,
      %add3A_923 = arith.constant 1 : i32
      %add3A_924 = vector.broadcast %add3A_923 : i32 to vector<16xi32>
      %add3A_925 = arith.addi %mul3A_5, %add3A_924 : vector<16xi32>
      %gather3A_926 = tpu.vector_load_idx %arg6[%add3A_925] : memref<272xf32, #tpu.memory_space<vmem>>[vector<16xi32>], vector<16xf32>,
      %add3A_927 = arith.constant 2 : i32
      %add3A_928 = vector.broadcast %add3A_927 : i32 to vector<16xi32>
      %add3A_929 = arith.addi %mul3A_5, %add3A_928 : vector<16xi32>
      %gather3A_930 = tpu.vector_load_idx %arg6[%add3A_929] : memref<272xf32, #tpu.memory_space<vmem>>[vector<16xi32>], vector<16xf32>,
      %add3A_931 = arith.constant 3 : i32
      %add3A_932 = vector.broadcast %add3A_931 : i32 to vector<16xi32>
      %add3A_933 = arith.addi %mul3A_5, %add3A_932 : vector<16xi32>
      %gather3A_934 = tpu.vector_load_idx %arg6[%add3A_933] : memref<272xf32, #tpu.memory_space<vmem>>[vector<16xi32>], vector<16xf32>,
      %add3A_935 = arith.constant 0 : i32
      %add3A_936 = vector.broadcast %add3A_935 : i32 to vector<16xi32>
      %add3A_937 = arith.addi %mul3A_5, %add3A_936 : vector<16xi32>
      %gather3A_938 = tpu.vector_load_idx %arg7[%add3A_937] : memref<272xf32, #tpu.memory_space<vmem>>[vector<16xi32>], vector<16xf32>,
      %add3A_939 = arith.constant 1 : i32
      %add3A_940 = vector.broadcast %add3A_939 : i32 to vector<16xi32>
      %add3A_941 = arith.addi %mul3A_5, %add3A_940 : vector<16xi32>
      %gather3A_942 = tpu.vector_load_idx %arg7[%add3A_941] : memref<272xf32, #tpu.memory_space<vmem>>[vector<16xi32>], vector<16xf32>,
      %add3A_943 = arith.constant 2 : i32
      %add3A_944 = vector.broadcast %add3A_943 : i32 to vector<16xi32>
      %add3A_945 = arith.addi %mul3A_5, %add3A_944 : vector<16xi32>
      %gather3A_946 = tpu.vector_load_idx %arg7[%add3A_945] : memref<272xf32, #tpu.memory_space<vmem>>[vector<16xi32>], vector<16xf32>,
      %add3A_947 = arith.constant 3 : i32
      %add3A_948 = vector.broadcast %add3A_947 : i32 to vector<16xi32>
      %add3A_949 = arith.addi %mul3A_5, %add3A_948 : vector<16xi32>
      %gather3A_950 = tpu.vector_load_idx %arg7[%add3A_949] : memref<272xf32, #tpu.memory_space<vmem>>[vector<16xi32>], vector<16xf32>,
      %add3A_951 = arith.constant 4 : i32
      %add3A_952 = vector.broadcast %add3A_951 : i32 to vector<16xi32>
      %add3A_953 = arith.addi %mul3A_5, %add3A_952 : vector<16xi32>
      %gather3A_954 = tpu.vector_load_idx %arg6[%add3A_953] : memref<272xf32, #tpu.memory_space<vmem>>[vector<16xi32>], vector<16xf32>,
      %add3A_955 = arith.addf %gather3A, %gather3A_954 : vector<16xf32>
      %add3A_956 = arith.constant 4 : i32
      %add3A_957 = vector.broadcast %add3A_956 : i32 to vector<16xi32>
      %add3A_958 = arith.addi %mul3A_5, %add3A_957 : vector<16xi32>
      %gather3A_959 = tpu.vector_load_idx %arg7[%add3A_958] : memref<272xf32, #tpu.memory_space<vmem>>[vector<16xi32>], vector<16xf32>,
      %max3A_960 = arith.maximumf %gather3A_938, %gather3A_959 : vector<16xf32>
      %add3A_961 = arith.constant 5 : i32
      %add3A_962 = vector.broadcast %add3A_961 : i32 to vector<16xi32>
      %add3A_963 = arith.addi %mul3A_5, %add3A_962 : vector<16xi32>
      %gather3A_964 = tpu.vector_load_idx %arg6[%add3A_963] : memref<272xf32, #tpu.memory_space<vmem>>[vector<16xi32>], vector<16xf32>,
      %add3A_965 = arith.addf %gather3A_926, %gather3A_964 : vector<16xf32>
      %add3A_966 = arith.constant 5 : i32
      %add3A_967 = vector.broadcast %add3A_966 : i32 to vector<16xi32>
      %add3A_968 = arith.addi %mul3A_5, %add3A_967 : vector<16xi32>
      %gather3A_969 = tpu.vector_load_idx %arg7[%add3A_968] : memref<272xf32, #tpu.memory_space<vmem>>[vector<16xi32>], vector<16xf32>,
      %max3A_970 = arith.maximumf %gather3A_942, %gather3A_969 : vector<16xf32>
      %add3A_971 = arith.constant 6 : i32
      %add3A_972 = vector.broadcast %add3A_971 : i32 to vector<16xi32>
      %add3A_973 = arith.addi %mul3A_5, %add3A_972 : vector<16xi32>
      %gather3A_974 = tpu.vector_load_idx %arg6[%add3A_973] : memref<272xf32, #tpu.memory_space<vmem>>[vector<16xi32>], vector<16xf32>,
      %add3A_975 = arith.addf %gather3A_930, %gather3A_974 : vector<16xf32>
      %add3A_976 = arith.constant 6 : i32
      %add3A_977 = vector.broadcast %add3A_976 : i32 to vector<16xi32>
      %add3A_978 = arith.addi %mul3A_5, %add3A_977 : vector<16xi32>
      %gather3A_979 = tpu.vector_load_idx %arg7[%add3A_978] : memref<272xf32, #tpu.memory_space<vmem>>[vector<16xi32>], vector<16xf32>,
      %max3A_980 = arith.maximumf %gather3A_946, %gather3A_979 : vector<16xf32>
      %add3A_981 = arith.constant 7 : i32
      %add3A_982 = vector.broadcast %add3A_981 : i32 to vector<16xi32>
      %add3A_983 = arith.addi %mul3A_5, %add3A_982 : vector<16xi32>
      %gather3A_984 = tpu.vector_load_idx %arg6[%add3A_983] : memref<272xf32, #tpu.memory_space<vmem>>[vector<16xi32>], vector<16xf32>,
      %add3A_985 = arith.addf %gather3A_934, %gather3A_984 : vector<16xf32>
      %add3A_986 = arith.constant 7 : i32
      %add3A_987 = vector.broadcast %add3A_986 : i32 to vector<16xi32>
      %add3A_988 = arith.addi %mul3A_5, %add3A_987 : vector<16xi32>
      %gather3A_989 = tpu.vector_load_idx %arg7[%add3A_988] : memref<272xf32, #tpu.memory_space<vmem>>[vector<16xi32>], vector<16xf32>,
      %max3A_990 = arith.maximumf %gather3A_950, %gather3A_989 : vector<16xf32>
      %add3A_991 = arith.constant 8 : i32
      %add3A_992 = vector.broadcast %add3A_991 : i32 to vector<16xi32>
      %add3A_993 = arith.addi %mul3A_5, %add3A_992 : vector<16xi32>
      %gather3A_994 = tpu.vector_load_idx %arg6[%add3A_993] : memref<272xf32, #tpu.memory_space<vmem>>[vector<16xi32>], vector<16xf32>,
      %add3A_995 = arith.addf %add3A_955, %gather3A_994 : vector<16xf32>
      %add3A_996 = arith.constant 8 : i32
      %add3A_997 = vector.broadcast %add3A_996 : i32 to vector<16xi32>
      %add3A_998 = arith.addi %mul3A_5, %add3A_997 : vector<16xi32>
      %gather3A_999 = tpu.vector_load_idx %arg7[%add3A_998] : memref<272xf32, #tpu.memory_space<vmem>>[vector<16xi32>], vector<16xf32>,
      %max3A_1000 = arith.maximumf %max3A_960, %gather3A_999 : vector<16xf32>
      %add3A_1001 = arith.constant 9 : i32
      %add3A_1002 = vector.broadcast %add3A_1001 : i32 to vector<16xi32>
      %add3A_1003 = arith.addi %mul3A_5, %add3A_1002 : vector<16xi32>
      %gather3A_1004 = tpu.vector_load_idx %arg6[%add3A_1003] : memref<272xf32, #tpu.memory_space<vmem>>[vector<16xi32>], vector<16xf32>,
      %add3A_1005 = arith.addf %add3A_965, %gather3A_1004 : vector<16xf32>
      %add3A_1006 = arith.constant 9 : i32
      %add3A_1007 = vector.broadcast %add3A_1006 : i32 to vector<16xi32>
      %add3A_1008 = arith.addi %mul3A_5, %add3A_1007 : vector<16xi32>
      %gather3A_1009 = tpu.vector_load_idx %arg7[%add3A_1008] : memref<272xf32, #tpu.memory_space<vmem>>[vector<16xi32>], vector<16xf32>,
      %max3A_1010 = arith.maximumf %max3A_970, %gather3A_1009 : vector<16xf32>
      %add3A_1011 = arith.constant 10 : i32
      %add3A_1012 = vector.broadcast %add3A_1011 : i32 to vector<16xi32>
      %add3A_1013 = arith.addi %mul3A_5, %add3A_1012 : vector<16xi32>
      %gather3A_1014 = tpu.vector_load_idx %arg6[%add3A_1013] : memref<272xf32, #tpu.memory_space<vmem>>[vector<16xi32>], vector<16xf32>,
      %add3A_1015 = arith.addf %add3A_975, %gather3A_1014 : vector<16xf32>
      %add3A_1016 = arith.constant 10 : i32
      %add3A_1017 = vector.broadcast %add3A_1016 : i32 to vector<16xi32>
      %add3A_1018 = arith.addi %mul3A_5, %add3A_1017 : vector<16xi32>
      %gather3A_1019 = tpu.vector_load_idx %arg7[%add3A_1018] : memref<272xf32, #tpu.memory_space<vmem>>[vector<16xi32>], vector<16xf32>,
      %max3A_1020 = arith.maximumf %max3A_980, %gather3A_1019 : vector<16xf32>
      %add3A_1021 = arith.constant 11 : i32
      %add3A_1022 = vector.broadcast %add3A_1021 : i32 to vector<16xi32>
      %add3A_1023 = arith.addi %mul3A_5, %add3A_1022 : vector<16xi32>
      %gather3A_1024 = tpu.vector_load_idx %arg6[%add3A_1023] : memref<272xf32, #tpu.memory_space<vmem>>[vector<16xi32>], vector<16xf32>,
      %add3A_1025 = arith.addf %add3A_985, %gather3A_1024 : vector<16xf32>
      %add3A_1026 = arith.constant 11 : i32
      %add3A_1027 = vector.broadcast %add3A_1026 : i32 to vector<16xi32>
      %add3A_1028 = arith.addi %mul3A_5, %add3A_1027 : vector<16xi32>
      %gather3A_1029 = tpu.vector_load_idx %arg7[%add3A_1028] : memref<272xf32, #tpu.memory_space<vmem>>[vector<16xi32>], vector<16xf32>,
      %max3A_1030 = arith.maximumf %max3A_990, %gather3A_1029 : vector<16xf32>
      %add3A_1031 = arith.constant 12 : i32
      %add3A_1032 = vector.broadcast %add3A_1031 : i32 to vector<16xi32>
      %add3A_1033 = arith.addi %mul3A_5, %add3A_1032 : vector<16xi32>
      %gather3A_1034 = tpu.vector_load_idx %arg6[%add3A_1033] : memref<272xf32, #tpu.memory_space<vmem>>[vector<16xi32>], vector<16xf32>,
      %add3A_1035 = arith.addf %add3A_995, %gather3A_1034 : vector<16xf32>
      %add3A_1036 = arith.constant 12 : i32
      %add3A_1037 = vector.broadcast %add3A_1036 : i32 to vector<16xi32>
      %add3A_1038 = arith.addi %mul3A_5, %add3A_1037 : vector<16xi32>
      %gather3A_1039 = tpu.vector_load_idx %arg7[%add3A_1038] : memref<272xf32, #tpu.memory_space<vmem>>[vector<16xi32>], vector<16xf32>,
      %max3A_1040 = arith.maximumf %max3A_1000, %gather3A_1039 : vector<16xf32>
      %add3A_1041 = arith.constant 13 : i32
      %add3A_1042 = vector.broadcast %add3A_1041 : i32 to vector<16xi32>
      %add3A_1043 = arith.addi %mul3A_5, %add3A_1042 : vector<16xi32>
      %gather3A_1044 = tpu.vector_load_idx %arg6[%add3A_1043] : memref<272xf32, #tpu.memory_space<vmem>>[vector<16xi32>], vector<16xf32>,
      %add3A_1045 = arith.addf %add3A_1005, %gather3A_1044 : vector<16xf32>
      %add3A_1046 = arith.constant 13 : i32
      %add3A_1047 = vector.broadcast %add3A_1046 : i32 to vector<16xi32>
      %add3A_1048 = arith.addi %mul3A_5, %add3A_1047 : vector<16xi32>
      %gather3A_1049 = tpu.vector_load_idx %arg7[%add3A_1048] : memref<272xf32, #tpu.memory_space<vmem>>[vector<16xi32>], vector<16xf32>,
      %max3A_1050 = arith.maximumf %max3A_1010, %gather3A_1049 : vector<16xf32>
      %add3A_1051 = arith.constant 14 : i32
      %add3A_1052 = vector.broadcast %add3A_1051 : i32 to vector<16xi32>
      %add3A_1053 = arith.addi %mul3A_5, %add3A_1052 : vector<16xi32>
      %gather3A_1054 = tpu.vector_load_idx %arg6[%add3A_1053] : memref<272xf32, #tpu.memory_space<vmem>>[vector<16xi32>], vector<16xf32>,
      %add3A_1055 = arith.addf %add3A_1015, %gather3A_1054 : vector<16xf32>
      %add3A_1056 = arith.constant 14 : i32
      %add3A_1057 = vector.broadcast %add3A_1056 : i32 to vector<16xi32>
      %add3A_1058 = arith.addi %mul3A_5, %add3A_1057 : vector<16xi32>
      %gather3A_1059 = tpu.vector_load_idx %arg7[%add3A_1058] : memref<272xf32, #tpu.memory_space<vmem>>[vector<16xi32>], vector<16xf32>,
      %max3A_1060 = arith.maximumf %max3A_1020, %gather3A_1059 : vector<16xf32>
      %add3A_1061 = arith.constant 15 : i32
      %add3A_1062 = vector.broadcast %add3A_1061 : i32 to vector<16xi32>
      %add3A_1063 = arith.addi %mul3A_5, %add3A_1062 : vector<16xi32>
      %gather3A_1064 = tpu.vector_load_idx %arg6[%add3A_1063] : memref<272xf32, #tpu.memory_space<vmem>>[vector<16xi32>], vector<16xf32>,
      %add3A_1065 = arith.addf %add3A_1025, %gather3A_1064 : vector<16xf32>
      %add3A_1066 = arith.constant 15 : i32
      %add3A_1067 = vector.broadcast %add3A_1066 : i32 to vector<16xi32>
      %add3A_1068 = arith.addi %mul3A_5, %add3A_1067 : vector<16xi32>
      %gather3A_1069 = tpu.vector_load_idx %arg7[%add3A_1068] : memref<272xf32, #tpu.memory_space<vmem>>[vector<16xi32>], vector<16xf32>,
      %max3A_1070 = arith.maximumf %max3A_1030, %gather3A_1069 : vector<16xf32>
      %add3A_1071 = arith.addf %add3A_1035, %add3A_1045 : vector<16xf32>
      %add3A_1072 = arith.addf %add3A_1055, %add3A_1065 : vector<16xf32>
      %add3A_1073 = arith.addf %add3A_1071, %add3A_1072 : vector<16xf32>
      %max3A_1074 = arith.maximumf %max3A_1040, %max3A_1050 : vector<16xf32>
      %max3A_1075 = arith.maximumf %max3A_1060, %max3A_1070 : vector<16xf32>
      %max3A_1076 = arith.maximumf %max3A_1074, %max3A_1075 : vector<16xf32>
      %mul3A_1077 = arith.constant 16 : i32
      %mul3A_1078 = arith.muli %scan3A_20, %mul3A_1077 : i32
      %swap3A_1079 = arith.index_cast %mul3A_1078 : i32 to index
      %swap3A_1080 = tpu.vector_load %arg8[%swap3A_1079] {strides = array<i32>} : memref<128xf32, #tpu.memory_space<vmem>>, vector<16xf32>,
      tpu.vector_store %arg8[%swap3A_1079], %add3A_1073 {strides = array<i32>} : memref<128xf32, #tpu.memory_space<vmem>>, vector<16xf32>,
      %mul3A_1081 = arith.constant 16 : i32
      %mul3A_1082 = arith.muli %scan3A_20, %mul3A_1081 : i32
      %swap3A_1083 = arith.index_cast %mul3A_1082 : i32 to index
      %swap3A_1084 = tpu.vector_load %arg9[%swap3A_1083] {strides = array<i32>} : memref<128xf32, #tpu.memory_space<vmem>>, vector<16xf32>,
      tpu.vector_store %arg9[%swap3A_1083], %max3A_1076 {strides = array<i32>} : memref<128xf32, #tpu.memory_space<vmem>>, vector<16xf32>,
    }
    %scan3A_19 = arith.constant 8 : i32
    "tpu.region"() ({
      %run_scoped3A = tpu.sem_alloc : memref<!tpu.dma_semaphore, #tpu.memory_space<semaphore_mem>>
      %dma_start3A_20 = tpu.memref_slice %arg3[%mul3A_2] : memref<4096xf32, #tpu.memory_space<hbm>> -> memref<128xf32, #tpu.memory_space<hbm>>
      %dma_start3A_21 = tpu.memref_slice %arg3[%mul3A_2] : memref<4096xf32, #tpu.memory_space<hbm>> -> memref<128xf32, #tpu.memory_space<hbm>>
      tpu.enqueue_dma source(%arg8 : memref<128xf32, #tpu.memory_space<vmem>>) target(%dma_start3A_21 : memref<128xf32, #tpu.memory_space<hbm>>) target_semaphore(%run_scoped3A : memref<!tpu.dma_semaphore, #tpu.memory_space<semaphore_mem>>)
      %dma_wait3A = tpu.memref_slice %arg3[%mul3A_2] : memref<4096xf32, #tpu.memory_space<hbm>> -> memref<128xf32, #tpu.memory_space<hbm>>
      %dma_wait3A_22 = tpu.memref_slice %arg3[%mul3A_2] : memref<4096xf32, #tpu.memory_space<hbm>> -> memref<128xf32, #tpu.memory_space<hbm>>
      tpu.wait_dma2 semaphore(%run_scoped3A : memref<!tpu.dma_semaphore, #tpu.memory_space<semaphore_mem>>) src(%arg8 : memref<128xf32, #tpu.memory_space<vmem>>) dst(%dma_wait3A_22 : memref<128xf32, #tpu.memory_space<hbm>>)
      tpu.yield
    }) : () -> ()
    "tpu.region"() ({
      %run_scoped3A = tpu.sem_alloc : memref<!tpu.dma_semaphore, #tpu.memory_space<semaphore_mem>>
      %dma_start3A_20 = tpu.memref_slice %arg4[%mul3A_2] : memref<4096xf32, #tpu.memory_space<hbm>> -> memref<128xf32, #tpu.memory_space<hbm>>
      %dma_start3A_21 = tpu.memref_slice %arg4[%mul3A_2] : memref<4096xf32, #tpu.memory_space<hbm>> -> memref<128xf32, #tpu.memory_space<hbm>>
      tpu.enqueue_dma source(%arg9 : memref<128xf32, #tpu.memory_space<vmem>>) target(%dma_start3A_21 : memref<128xf32, #tpu.memory_space<hbm>>) target_semaphore(%run_scoped3A : memref<!tpu.dma_semaphore, #tpu.memory_space<semaphore_mem>>)
      %dma_wait3A = tpu.memref_slice %arg4[%mul3A_2] : memref<4096xf32, #tpu.memory_space<hbm>> -> memref<128xf32, #tpu.memory_space<hbm>>
      %dma_wait3A_22 = tpu.memref_slice %arg4[%mul3A_2] : memref<4096xf32, #tpu.memory_space<hbm>> -> memref<128xf32, #tpu.memory_space<hbm>>
      tpu.wait_dma2 semaphore(%run_scoped3A : memref<!tpu.dma_semaphore, #tpu.memory_space<semaphore_mem>>) src(%arg9 : memref<128xf32, #tpu.memory_space<vmem>>) dst(%dma_wait3A_22 : memref<128xf32, #tpu.memory_space<hbm>>)
      tpu.yield
    }) : () -> ()
    return
  }
}

module attributes {stable_mosaic.version = 14 : i64} {
  func.func @_tc_partial_kernel(%arg0: i32, %arg1: memref<1xi32, #tpu.memory_space<smem>>, %arg2: memref<4096x128xf32, #tpu.memory_space<vmem>>, %arg3: memref<2xf32, #tpu.memory_space<smem>>, %arg4: memref<2xf32, #tpu.memory_space<smem>>) attributes {dimension_semantics = [#tpu.dimension_semantics<arbitrary>], iteration_bounds = array<i64: 3>, scalar_prefetch = 0 : i64, scratch_operands = 1 : i64, tpu.core_type = #tpu.core_type<tc>, window_params = [{transform_indices = @transform_0, window_bounds = array<i64: 1>}, {transform_indices = @transform_1, window_bounds = array<i64: 4096, 128>}, {transform_indices = @transform_2, window_bounds = array<i64: 2>}]} {
    %eq3A = arith.constant 0 : i32
    %eq3A_0 = arith.cmpi eq, %arg0, %eq3A : i32
    %convert_element_type3A = arith.extui %eq3A_0 : i1 to i32
    %cond3A = arith.constant 0 : i32
    %cond3A_1 = arith.cmpi ne, %convert_element_type3A, %cond3A : i32
    scf.if %cond3A_1 {
      %swap3A_38 = arith.constant 0.000000e+00 : f32
      %swap3A_39 = arith.constant 0 : index
      %swap3A_40 = memref.load %arg4[%swap3A_39] : memref<2xf32, #tpu.memory_space<smem>>
      memref.store %swap3A_38, %arg4[%swap3A_39] : memref<2xf32, #tpu.memory_space<smem>>
      %swap3A_41 = arith.constant 0.000000e+00 : f32
      %swap3A_42 = arith.constant 1 : index
      %swap3A_43 = memref.load %arg4[%swap3A_42] : memref<2xf32, #tpu.memory_space<smem>>
      memref.store %swap3A_41, %arg4[%swap3A_42] : memref<2xf32, #tpu.memory_space<smem>>
    } else {
    }
    %get3A = arith.constant 0 : index
    %get3A_2 = memref.load %arg1[%get3A] : memref<1xi32, #tpu.memory_space<smem>>
    %eq3A_3 = arith.constant 1 : i32
    %eq3A_4 = arith.cmpi eq, %get3A_2, %eq3A_3 : i32
    %jit3A = arith.constant 1.250000e+00 : f32
    %jit3A_5 = arith.constant 0.899999976 : f32
    %select_n3A = arith.select %eq3A_4, %jit3A, %jit3A_5 : f32
    %get3A_6 = arith.constant 0 : index
    %get3A_7 = arith.constant 0 : index
    %get3A_8 = vector.load %arg2[%get3A_6, %get3A_7] : memref<4096x128xf32, #tpu.memory_space<vmem>>, vector<4096x128xf32>
    %reduce_sum3A = arith.constant dense<0.000000e+00> : vector<4096xf32>
    %reduce_sum3A_9 = vector.multi_reduction <add>, %get3A_8, %reduce_sum3A [1] : vector<4096x128xf32> to vector<4096xf32>
    %reduce_max3A = arith.constant dense<0xFF800000> : vector<4096xf32>
    %reduce_max3A_10 = vector.multi_reduction <maximumf>, %get3A_8, %reduce_max3A [1] : vector<4096x128xf32> to vector<4096xf32>
    %sub3A = arith.constant 1.000000e+00 : f32
    %sub3A_11 = arith.subf %select_n3A, %sub3A : f32
    %mul3A = vector.broadcast %sub3A_11 : f32 to vector<4096xf32>
    %mul3A_12 = arith.mulf %reduce_max3A_10, %mul3A : vector<4096xf32>
    %add3A = arith.addf %reduce_sum3A_9, %mul3A_12 : vector<4096xf32>
    %log3A = math.log %add3A : vector<4096xf32>
    %get3A_13 = arith.constant 0 : index
    %get3A_14 = memref.load %arg4[%get3A_13] : memref<2xf32, #tpu.memory_space<smem>>
    %reduce_sum3A_15 = vector.shape_cast %log3A : vector<4096xf32> to vector<1x4096xf32>
    %reduce_sum3A_16 = arith.constant dense<0.000000e+00> : vector<1xf32>
    %reduce_sum3A_17 = vector.multi_reduction <add>, %reduce_sum3A_15, %reduce_sum3A_16 [1] : vector<1x4096xf32> to vector<1xf32>
    %reduce_sum3A_18 = vector.shape_cast %reduce_sum3A_17 : vector<1xf32> to vector<1x1xf32>
    %reduce_sum3A_19 = vector.extract %reduce_sum3A_18[0, 0] : f32 from vector<1x1xf32>
    %add3A_20 = arith.addf %get3A_14, %reduce_sum3A_19 : f32
    %swap3A = arith.constant 0 : index
    %swap3A_21 = memref.load %arg4[%swap3A] : memref<2xf32, #tpu.memory_space<smem>>
    memref.store %add3A_20, %arg4[%swap3A] : memref<2xf32, #tpu.memory_space<smem>>
    %get3A_22 = arith.constant 1 : index
    %get3A_23 = memref.load %arg4[%get3A_22] : memref<2xf32, #tpu.memory_space<smem>>
    %mul3A_24 = arith.mulf %log3A, %log3A : vector<4096xf32>
    %reduce_sum3A_25 = vector.shape_cast %mul3A_24 : vector<4096xf32> to vector<1x4096xf32>
    %reduce_sum3A_26 = arith.constant dense<0.000000e+00> : vector<1xf32>
    %reduce_sum3A_27 = vector.multi_reduction <add>, %reduce_sum3A_25, %reduce_sum3A_26 [1] : vector<1x4096xf32> to vector<1xf32>
    %reduce_sum3A_28 = vector.shape_cast %reduce_sum3A_27 : vector<1xf32> to vector<1x1xf32>
    %reduce_sum3A_29 = vector.extract %reduce_sum3A_28[0, 0] : f32 from vector<1x1xf32>
    %add3A_30 = arith.addf %get3A_23, %reduce_sum3A_29 : f32
    %swap3A_31 = arith.constant 1 : index
    %swap3A_32 = memref.load %arg4[%swap3A_31] : memref<2xf32, #tpu.memory_space<smem>>
    memref.store %add3A_30, %arg4[%swap3A_31] : memref<2xf32, #tpu.memory_space<smem>>
    %eq3A_33 = arith.constant 2 : i32
    %eq3A_34 = arith.cmpi eq, %arg0, %eq3A_33 : i32
    %convert_element_type3A_35 = arith.extui %eq3A_34 : i1 to i32
    %cond3A_36 = arith.constant 0 : i32
    %cond3A_37 = arith.cmpi ne, %convert_element_type3A_35, %cond3A_36 : i32
    scf.if %cond3A_37 {
      %get3A_38 = arith.constant 0 : index
      %get3A_39 = memref.load %arg4[%get3A_38] : memref<2xf32, #tpu.memory_space<smem>>
      %swap3A_40 = arith.constant 0 : index
      %swap3A_41 = memref.load %arg3[%swap3A_40] : memref<2xf32, #tpu.memory_space<smem>>
      memref.store %get3A_39, %arg3[%swap3A_40] : memref<2xf32, #tpu.memory_space<smem>>
      %get3A_42 = arith.constant 1 : index
      %get3A_43 = memref.load %arg4[%get3A_42] : memref<2xf32, #tpu.memory_space<smem>>
      %swap3A_44 = arith.constant 1 : index
      %swap3A_45 = memref.load %arg3[%swap3A_44] : memref<2xf32, #tpu.memory_space<smem>>
      memref.store %get3A_43, %arg3[%swap3A_44] : memref<2xf32, #tpu.memory_space<smem>>
    } else {
    }
    return
  }
  func.func @transform_0(%arg0: i32) -> i32 {
    %c0_i32 = arith.constant 0 : i32
    %c0_i32_0 = arith.constant 0 : i32
    return %c0_i32 : i32
  }
  func.func @transform_1(%arg0: i32) -> (i32, i32) {
    %add3A = arith.constant 1 : i32
    %add3A_0 = arith.addi %arg0, %add3A : i32
    %c0_i32 = arith.constant 0 : i32
    %c0_i32_1 = arith.constant 0 : i32
    return %add3A_0, %c0_i32 : i32, i32
  }
  func.func @transform_2(%arg0: i32) -> i32 {
    %c0_i32 = arith.constant 0 : i32
    %c0_i32_0 = arith.constant 0 : i32
    return %c0_i32 : i32
  }
}

module attributes {stable_mosaic.version = 14 : i64} {
  func.func @_finish_kernel(%arg0: memref<1xi32, #tpu.memory_space<smem>>, %arg1: memref<2xf32, #tpu.memory_space<smem>>, %arg2: memref<32x128xf32, #tpu.memory_space<vmem>>, %arg3: memref<32x128xf32, #tpu.memory_space<vmem>>, %arg4: memref<1xf32, #tpu.memory_space<smem>>) attributes {dimension_semantics = [], scalar_prefetch = 0 : i64, scratch_operands = 0 : i64, tpu.core_type = #tpu.core_type<tc>} {
    %get3A = arith.constant 0 : index
    %get3A_0 = memref.load %arg0[%get3A] : memref<1xi32, #tpu.memory_space<smem>>
    %eq3A = arith.constant 1 : i32
    %eq3A_1 = arith.cmpi eq, %get3A_0, %eq3A : i32
    %jit3A = arith.constant 1.250000e+00 : f32
    %jit3A_2 = arith.constant 0.899999976 : f32
    %select_n3A = arith.select %eq3A_1, %jit3A, %jit3A_2 : f32
    %get3A_3 = arith.constant 0 : index
    %get3A_4 = arith.constant 0 : index
    %get3A_5 = vector.load %arg2[%get3A_3, %get3A_4] : memref<32x128xf32, #tpu.memory_space<vmem>>, vector<32x128xf32>
    %get3A_6 = arith.constant 0 : index
    %get3A_7 = arith.constant 0 : index
    %get3A_8 = vector.load %arg3[%get3A_6, %get3A_7] : memref<32x128xf32, #tpu.memory_space<vmem>>, vector<32x128xf32>
    %sub3A = arith.constant 1.000000e+00 : f32
    %sub3A_9 = arith.subf %select_n3A, %sub3A : f32
    %mul3A = vector.broadcast %sub3A_9 : f32 to vector<32x128xf32>
    %mul3A_10 = arith.mulf %get3A_8, %mul3A : vector<32x128xf32>
    %add3A = arith.addf %get3A_5, %mul3A_10 : vector<32x128xf32>
    %log3A = math.log %add3A : vector<32x128xf32>
    %get3A_11 = arith.constant 0 : index
    %get3A_12 = memref.load %arg1[%get3A_11] : memref<2xf32, #tpu.memory_space<smem>>
    %reduce_sum3A = vector.shape_cast %log3A : vector<32x128xf32> to vector<1x32x128xf32>
    %reduce_sum3A_13 = arith.constant dense<0.000000e+00> : vector<1xf32>
    %reduce_sum3A_14 = vector.multi_reduction <add>, %reduce_sum3A, %reduce_sum3A_13 [1, 2] : vector<1x32x128xf32> to vector<1xf32>
    %reduce_sum3A_15 = vector.shape_cast %reduce_sum3A_14 : vector<1xf32> to vector<1x1x1xf32>
    %reduce_sum3A_16 = vector.extract %reduce_sum3A_15[0, 0, 0] : f32 from vector<1x1x1xf32>
    %add3A_17 = arith.addf %get3A_12, %reduce_sum3A_16 : f32
    %get3A_18 = arith.constant 1 : index
    %get3A_19 = memref.load %arg1[%get3A_18] : memref<2xf32, #tpu.memory_space<smem>>
    %mul3A_20 = arith.mulf %log3A, %log3A : vector<32x128xf32>
    %reduce_sum3A_21 = vector.shape_cast %mul3A_20 : vector<32x128xf32> to vector<1x32x128xf32>
    %reduce_sum3A_22 = arith.constant dense<0.000000e+00> : vector<1xf32>
    %reduce_sum3A_23 = vector.multi_reduction <add>, %reduce_sum3A_21, %reduce_sum3A_22 [1, 2] : vector<1x32x128xf32> to vector<1xf32>
    %reduce_sum3A_24 = vector.shape_cast %reduce_sum3A_23 : vector<1xf32> to vector<1x1x1xf32>
    %reduce_sum3A_25 = vector.extract %reduce_sum3A_24[0, 0, 0] : f32 from vector<1x1x1xf32>
    %add3A_26 = arith.addf %get3A_19, %reduce_sum3A_25 : f32
    %log3A_27 = math.log %select_n3A : f32
    %mul3A_28 = arith.constant 1.280000e+02 : f32
    %mul3A_29 = arith.mulf %mul3A_28, %add3A_26 : f32
    %mul3A_30 = arith.constant 2.000000e+00 : f32
    %mul3A_31 = arith.mulf %mul3A_30, %log3A_27 : f32
    %mul3A_32 = arith.mulf %mul3A_31, %add3A_17 : f32
    %sub3A_33 = arith.subf %mul3A_29, %mul3A_32 : f32
    %mul3A_34 = arith.constant 1.638400e+04 : f32
    %mul3A_35 = arith.mulf %mul3A_34, %log3A_27 : f32
    %mul3A_36 = arith.mulf %mul3A_35, %log3A_27 : f32
    %add3A_37 = arith.addf %sub3A_33, %mul3A_36 : f32
    %mul3A_38 = arith.constant 1.280000e+02 : f32
    %mul3A_39 = arith.constant 1.638400e+04 : f32
    %mul3A_40 = arith.mulf %mul3A_38, %mul3A_39 : f32
    %div3A = arith.divf %add3A_37, %mul3A_40 : f32
    %swap3A = arith.constant 0 : index
    %swap3A_41 = memref.load %arg4[%swap3A] : memref<1xf32, #tpu.memory_space<smem>>
    memref.store %div3A, %arg4[%swap3A] : memref<1xf32, #tpu.memory_space<smem>>
    return
  }
}

</mosaic_0001>

<sc_bundles>
// kernel: _run.5.cloned.1.call-start
scs
__scs_entry_jumppad:
0x0: {  	(pc) =	sbr.rel $0x88, $3  }
0x1: {  	(tag) =	ssettag $0x0;
	lr =	simm.s32 $0x1  }
0x2: {  	[smem:$0x3F9F] =	sst lr;
	_ =	strace $0xD0000000  }
0x3: {  	_ = 	snop  }
0x4: {  	_ = 	snop  }
0x5: {  	_ = 	snop  }
0x6: {  	_ = 	snop  }
0x7: {  	_ = 	snop  }
__scs_overlays_trampoline_lowered:
0x8: {  	[smem:$0x3FAE] =	sst s0  }
0x9: {  	[smem:$0x3FAF] =	sst s1  }
0xa: {  	[smem:$0x3FB0] =	sst s2  }
0xb: {  	[smem:$0x3FB1] =	sst s3  }
0xc: {  	[smem:$0x3FB2] =	sst s4  }
0xd: {  	[smem:$0x3FB3] =	sst s5  }
0xe: {  	[smem:$0x3FB4] =	sst s6  }
0xf: {  	[smem:$0x3FB5] =	sst s7  }
0x10: {  	[smem:$0x3FB6] =	sst s8  }
0x11: {  	[smem:$0x3FB7] =	sst s9;
	s0 =	simm.s32 @!p0 $0x0  }
0x12: {  	s1 =	sld [smem:$0x3F9D];
	s0 =	simm.s32 @p0 $0x1  }
0x13: {  	[smem:$0x3FB8] =	sst s0;
	s0 =	simm.s32 @!p1 $0x0  }
0x14: {  	s2 =	sld [smem:$0x3F9C];
	s0 =	simm.s32 @p1 $0x1  }
0x15: {  	[smem:$0x3FB9] =	sst s0;
	s0 =	simm.s32 @!p2 $0x0  }
0x16: {  	s3 =	sld [smem:$0x3FDB];
	s0 =	simm.s32 @p2 $0x1  }
0x17: {  	s4 =	simm.s32 $0x1BF5;
	[smem:$0x3FBB] =	sst s0  }
0x18: {  	s0 =	sld [smem:$0x3F9E];
	_ =	swait.ge [sflag:s4], $0x0  }
0x19: {  	s7 =	sld [smem:$0x3F9F]  }
0x1a: {  	s8 =	sadd.s32 $0xFFFFE003, lr  }
0x1b: {  	s9 =	sadd.s32 $0xFFFFFEF7, lr;
	s5 =	simm.s32 $0xFFFFFFFF;
	p2 =	slt.u32 s8, $0xFFFFF086  }
0x1c: {  	p1 =	slt.u32 s9, $0xF7A;
	s5 =	simm.s32 @!p2 $0x0  }
0x1d: {  	s5 =	simm.s32 @p1 $0x1;
	p0 =	seq.s32 s7, s2  }
0x1e: {  	s7 =	smul.u32 @!p0 $0xF7A, s2;
	p2 =	seq.s32 @!p0 s5, $0x0  }
0x1f: {  	s9 =	smul.u32 $0xF7A, s1;
	s8 =	simm.s32 @!p0 $0x1BF5;
	p2 =	por !p2, p0  }
0x20: {  	[sflag:s8] =	ssyncset.s32 @!p0 $0xFFFFF086;
	s6 =	sadd.s32 @!p0 s3, s7;
	s7 =	simm.s32 @!p0 $0x108  }
0x21: {  	s3 =	sadd.s32 s3, s9;
	s6 =	sadd.s32 @!p0 $0x88, s6;
	s7 =	simm.s32 @p2 $0x1082  }
0x22: {  	[simem:s7], [sflag:s8] =	dma.local @!p0 [hbm:s6], $0xF7A  }
0x23: {  	s9 =	sor.u32 $0xD0000000, s2;
	s6 =	simm.s32 $0x108;
	_ =	swait.ge @!p0 [sflag:s8], $0x0  }
0x24: {  	s3 =	sadd.s32 $0x88, s3;
	s6 =	simm.s32 @!p1 $0x1082;
	[sflag:s4] =	ssyncset.s32 $0xFFFFF086  }
0x25: {  	[simem:s6], [sflag:s4] =	dma.local [hbm:s3], $0xF7A  }
0x26: {  	[smem:$0x3F9F] =	sst s1;
	(tag) =	ssettag s2;
	_ =	strace s9  }
0x27: {  	s1 =	sld [smem:$0x3FAF]  }
0x28: {  	s2 =	sld [smem:$0x3FB0]  }
0x29: {  	s4 =	sld [smem:$0x3FB2]  }
0x2a: {  	p0 =	seq.s32 s5, $0x0;
	s5 =	sld [smem:$0x3FB3]  }
0x2b: {  	s6 =	sld [smem:$0x3FB4]  }
0x2c: {  	s7 =	sld [smem:$0x3FB5]  }
0x2d: {  	s3 =	simm.s32 $0x108;
	s8 =	sld [smem:$0x3FB6]  }
0x2e: {  	s3 =	simm.s32 @!p0 $0x1082;
	s9 =	sld [smem:$0x3FB7]  }
0x2f: {  	lr =	sadd.s32 s0, s3;
	s0 =	sld [smem:$0x3FAE]  }
0x30: {  	s3 =	sld [smem:$0x3FB1]  }
0x31: {  	[smem:$0x3FBA] =	sst s10  }
0x32: {  	s10 =	sld [smem:$0x3FB8];
	_ =	sdelay $0x3  }
0x33: {  	p0 =	seq.s32 s10, $0x1;
	s10 =	sld [smem:$0x3FBA];
	_ =	sdelay $0x3  }
0x34: {  	[smem:$0x3FBA] =	sst s10  }
0x35: {  	s10 =	sld [smem:$0x3FB9];
	_ =	sdelay $0x3  }
0x36: {  	p1 =	seq.s32 s10, $0x1;
	s10 =	sld [smem:$0x3FBA];
	_ =	sdelay $0x3  }
0x37: {  	[smem:$0x3FBA] =	sst s10  }
0x38: {  	s10 =	sld [smem:$0x3FBB]  }
0x39: {  	_ = 	snop;
	(pc) =	sbr.ind lr, $3  }
0x3a: {  	_ = 	snop  }
0x3b: {  	_ = 	snop  }
0x3c: {  	p2 =	seq.s32 s10, $0x1;
	s10 =	sld [smem:$0x3FBA]  }
0x3d: {  	_ =	shalt  }
0x3e: {  	_ =	shalt  }
0x3f: {  	_ =	shalt  }
0x40: {  	_ =	shalt  }
0x41: {  	_ =	shalt  }
0x42: {  	_ =	shalt  }
0x43: {  	_ =	shalt  }
0x44: {  	_ =	shalt  }
0x45: {  	_ =	shalt  }
0x46: {  	_ =	shalt  }
0x47: {  	_ =	shalt  }
0x48: {  	_ =	shalt  }
0x49: {  	_ =	shalt  }
0x4a: {  	_ =	shalt  }
0x4b: {  	_ =	shalt  }
0x4c: {  	_ =	shalt  }
0x4d: {  	_ =	shalt  }
0x4e: {  	_ =	shalt  }
0x4f: {  	_ =	shalt  }
0x50: {  	_ =	shalt  }
0x51: {  	_ =	shalt  }
0x52: {  	_ =	shalt  }
0x53: {  	_ =	shalt  }
0x54: {  	_ =	shalt  }
0x55: {  	_ =	shalt  }
0x56: {  	_ =	shalt  }
0x57: {  	_ =	shalt  }
0x58: {  	_ =	shalt  }
0x59: {  	_ =	shalt  }
0x5a: {  	_ =	shalt  }
0x5b: {  	_ =	shalt  }
0x5c: {  	_ =	shalt  }
0x5d: {  	_ =	shalt  }
0x5e: {  	_ =	shalt  }
0x5f: {  	_ =	shalt  }
0x60: {  	_ =	shalt  }
0x61: {  	_ =	shalt  }
0x62: {  	_ =	shalt  }
0x63: {  	_ =	shalt  }
0x64: {  	_ =	shalt  }
0x65: {  	_ =	shalt  }
0x66: {  	_ =	shalt  }
0x67: {  	_ =	shalt  }
0x68: {  	_ =	shalt  }
0x69: {  	_ =	shalt  }
0x6a: {  	_ =	shalt  }
0x6b: {  	_ =	shalt  }
0x6c: {  	_ =	shalt  }
0x6d: {  	_ =	shalt  }
0x6e: {  	_ =	shalt  }
0x6f: {  	_ =	shalt  }
0x70: {  	_ =	shalt  }
0x71: {  	_ =	shalt  }
0x72: {  	_ =	shalt  }
0x73: {  	_ =	shalt  }
0x74: {  	_ =	shalt  }
0x75: {  	_ =	shalt  }
0x76: {  	_ =	shalt  }
0x77: {  	_ =	shalt  }
0x78: {  	_ =	shalt  }
0x79: {  	_ =	shalt  }
0x7a: {  	_ =	shalt  }
0x7b: {  	_ =	shalt  }
0x7c: {  	_ =	shalt  }
0x7d: {  	_ =	shalt  }
0x7e: {  	_ =	shalt  }
0x7f: {  	_ =	shalt  }
0x80: {  	_ =	shalt  }
0x81: {  	_ =	shalt  }
0x82: {  	_ =	shalt  }
0x83: {  	_ =	shalt  }
0x84: {  	_ =	shalt  }
0x85: {  	_ =	shalt  }
0x86: {  	_ =	shalt  }
0x87: {  	_ =	shalt  }
.Lfunc_end0:
.L_simem_size_0:
called_computation_lowered:
.L_overlay_start_0:
0x88: {  	s2 =	sld [smem:$0x3FD9]  }
0x89: {  	s3 =	sld [smem:$0x3FFE];
	_ =	sdelay $0x1  }
0x8a: {  	s1 =	srdreg.scid  }
0x8b: {  	s0 =	sand.u32 $0x1, s1  }
0x8c: {  	s17 =	sshll.u32 s0, $0xA;
	s2 =	sadd.s32 s3, s2  }
0x8d: {  	s2 =	sadd.s32 s2, s17  }
0x8e: {  	[smem:$0x3FC6] =	sst s2  }
0x8f: {  	_ = 	snop  }
0x90: {  	s2 =	sld [smem:$0x3FC9];
	(tm) =	ssettm $0x1  }
0x91: {  	s18 =	sld [smem:$0x3FFB];
	_ =	sdelay $0x3  }
0x92: {  	_ =	strace s18  }
0x93: {  	s3 =	sld [smem:$0x3FFC];
	_ =	sdelay $0x3  }
0x94: {  	_ =	strace s3  }
0x95: {  	s3 =	sld [smem:$0x3FFD];
	_ =	sdelay $0x3  }
0x96: {  	_ =	strace s3  }
0x97: {  	_ =	strace $0x8FFFFFFF  }
0x98: {  	s19 =	sld [smem:$0x3FDB];
	_ =	sdelay $0x1  }
0x99: {  	s4 =	simm.s32 $_scs_section_size  }
0x9a: {  	s5 =	simm.s32 $_size__tile_overlayer_lowered;
	s6 =	simm.s32 $_tile_overlayer_lowered  }
0x9b: {  	s22 =	simm.s32 $0x1BFF;
	s21 =	sshll.u32 s6, $0x1;
	s3 =	sadd.s32 s4, s19  }
0x9c: {  	s7 =	simm.s32 $0x0;
	s20 =	sshll.u32 s5, $0x1;
	s5 =	sadd.s32 s21, s3  }
0x9d: {  	[timem:s7], [sflag:s22] =	dma.local [hbm:s5], s20  }
0x9e: {  	_ =	swait.ge [sflag:s22], s20  }
0x9f: {  	s4 =	ssub.s32 $0x0, s20;
	[sflag:s22] =	ssyncset.done $0x0  }
0xa0: {  	[sflag:s22] =	ssyncadd.s32 s4;
	_ =	sdelay $0x1  }
0xa1: {  	s23 =	simm.s32 $0x1B8B  }
0xa2: {  	_ =	swait.ge [sflag:s23], $0x1  }
0xa3: {  	[sflag:s23] =	ssyncset.done $0x0  }
0xa4: {  	s25 =	simm.s32 $0x1B8E;
	s24 =	sld [smem:$0x3FFE];
	[sflag:s23] =	ssyncadd.s32 $0xFFFFFFFF  }
0xa5: {  	s26 =	simm.s32 $execute0_lowered;
	[smem:$0x3FD2] =	sst s25  }
0xa6: {  	s5 =	sshll.u32 s26, $0x1;
	_ =	strace $0x80000046;
	[dreg:$0x1] =	wrdreg $0xFFFFFFFF  }
0xa7: {  	s28 =	simm.s32 $_size_execute0_lowered;
	s3 =	sadd.s32 s3, s5;
	[dreg:$0x0] =	wrdreg $0x0  }
0xa8: {  	s5 =	sshll.u32 s28, $0x1;
	[dreg:$0x2] =	wrdreg s3  }
0xa9: {  	[dreg:$0x3] =	wrdreg s5  }
0xaa: {  	[dreg:$0x4] =	wrdreg $0xC0  }
0xab: {  	_ =	task [dreg:s7], $0x5FFFF  }
0xac: {  	[dreg:$0x1] =	wrdreg $0xFFFFFFFF  }
0xad: {  	[dreg:$0x0] =	wrdreg $0x60  }
0xae: {  	[dreg:$0x2] =	wrdreg s2  }
0xaf: {  	[dreg:$0x3] =	wrdreg s24  }
0xb0: {  	[dreg:$0x4] =	wrdreg $0x9  }
0xb1: {  	_ =	task.clear_ibuf [dreg:s7], $0x5FFFF;
	_ =	strace $0x90000046  }
0xb2: {  	s29 =	simm.s32 $0x9;
	_ =	strace $0x80000048  }
0xb3: {  	_ =	swait.ge [sflag:s29], $0x1  }
0xb4: {  	[sflag:s29] =	ssyncadd.s32 $0xFFFFFFFF  }
0xb5: {  	_ =	strace $0x90000048  }
0xb6: {  	_ =	sfence  }
0xb7: {  	s30 =	sld [smem:$0x0];
	_ =	sdelay $0x2  }
0xb8: {  	s31 =	sshll.u32 s1, $0xD;
	s1 =	sshrl.u32 s1, $0x2  }
0xb9: {  	s3 =	sand.u32 $0x4000, s31;
	s1 =	sadd.s32 s1, s30  }
0xba: {  	s0 =	sor.u32 s3, s0;
	s1 =	sshll.u32 s1, $0x11  }
0xbb: {  	s0 =	sor.u32 s1, s0  }
0xbc: {  	s0 =	sadd.s32 $0x8F2B, s0  }
0xbd: {  	[sflag:s0] =	ssyncadd.remote.s32 $0x1  }
0xbe: {  	_ =	sfence.sel $0xFFFF  }
0xbf: {  	[dreg:$0x0] =	wrdreg $0xFFFFFFFF;
	(pc) =	sbr.abs _section_cstart, $3  }
0xc0: {  	[dreg:$0x1] =	wrdreg $0xFFFFFFFF  }
0xc1: {  	_ =	task.clear_ibuf [dreg:s7], $0x2FFFF;
	_ =	strace $0x9FFFFFFF  }
0xc2: {  	(tm) =	ssettm $0x7FFFFFFF  }
0xc3: {  	_ =	shalt  }
tec
execute0_lowered:
.L_overlay_start_1:
0x0: {  	(tag) =	ssettag $0x1  }
0x1: {  	s3 =	rddreg [dreg:$0x0]  }
0x2: {  	s4 =	rddreg [dreg:$0x1]  }
0x3: {  	s0 =	rddreg [dreg:$0x2];
	s5 =	srdreg.scid  }
0x4: {  	s1 =	stileid.u32;
	s2 =	simm.s32 $0x0;
	v0 =	vlaneseq.u32;
	s9 =	simm.s32 $0x4180  }
0x5: {  	s10 =	simm.s32 $0x4300;
	s11 =	simm.s32 $0x3;
	s12 =	simm.s32 $0x4380;
	v0 =	vmul.u32 $0x11, v0  }
0x6: {  	s5 =	sand.u32 $0x1, s5;
	s6 =	sshll.u32 s1, $0x1;
	[smem:$0x7FF] =	sst s2  }
0x7: {  	s13 =	simm.s32 $0x0;
	s6 =	sor.u32 s5, s6;
	_ =	strace $0x80000047;
	v1 =	vadd.s32 $0x1, v0;
	v2 =	vadd.s32 $0x2, v0;
	v3 =	vadd.s32 $0x3, v0  }
0x8: {  	s5 =	ssub.s32 $0x2, s5;
	s7 =	sshll.u32 s6, $0xB;
	s6 =	sshll.u32 s6, $0x4;
	v4 =	vadd.s32 $0x4, v0;
	v5 =	vadd.s32 $0x5, v0;
	v6 =	vadd.s32 $0x6, v0  }
0x9: {  	s8 =	sshrl.u32 s5, $0x1;
	v7 =	vadd.s32 $0x7, v0;
	v8 =	vadd.s32 $0x8, v0;
	v9 =	vadd.s32 $0x9, v0;
	s3 =	sadd.s32 s3, s7;
	s6 =	sadd.s32 s6, s4  }
0xa: {  	v10 =	vadd.s32 $0xA, v0;
	v11 =	vadd.s32 $0xB, v0;
	v12 =	vadd.s32 $0xC, v0;
	s31 =	ssub.s32 s5, s8;
	s8 =	simm.s32 $0x4000;
	s4 =	sadd.s32 $0x400, s3  }
0xb: {  	v13 =	vadd.s32 $0xD, v0;
	v14 =	vadd.s32 $0xE, v0;
	v15 =	vadd.s32 $0xF, v0;
	s5 =	sadd.s32 $0xE00, s6;
	s6 =	sadd.s32 $0x1000, s6;
	s7 =	smax.u32 s31, $0x1  }
.LBB2_1:
0xc: {  	[tilespmem:s2], [sflag:$0x1] =	stream.linear.gather [hbm4b:s3+s2], $0x2000, $0x38;
	[tilespmem:$0x4400] =	vst v63  }
0xd: {  	s14 =	simm.s32 $0x4380;
	s15 =	simm.s32 $0x4300;
	s16 =	simm.s32 $0x0  }
.LBB2_2:
0xe: {  	s17 =	sand.u32 $0x3, s16  }
0xf: {  	s18 =	sshrl.u32 s16, $0x2;
	p0 =	sne.s32 s17, $0x0  }
0x10: {  	p1 =	sne.s32 @!p0 s18, $0x1  }
0x11: {  	p2 =	por !p1, p0  }
0x12: {  	s19 =	simm.s32 @!p2 $0x1  }
0x13: {  	_ =	swait.ge @!p2 [sflag:s19], $0x2000  }
0x14: {  	p0 =	por p1, p0;
	[sflag:s19] =	ssyncset.done @!p2 $0x0  }
0x15: {  	s20 =	simm.s32 @!p2 $0x2000;
	[sflag:s19] =	ssyncadd.s32 @!p2 $0xFFFFE000;
	s19 =	simm.s32 @!p2 $0x0  }
0x16: {  	[tilespmem:s20], [sflag:$0x2] =	stream.linear.gather @!p2 [hbm4b:s4+s19], $0x2000, $0x38;
	[tilespmem:$0x4400] =	vst v63  }
0x17: {  	s19 =	simm.s32 @!p0 $0x2  }
0x18: {  	s18 =	sshll.u32 s18, $0xD;
	_ =	swait.ge @!p0 [sflag:s19], $0x2000  }
0x19: {  	s17 =	sshll.u32 s17, $0xB;
	s18 =	sand.u32 $0x3FFFE000, s18;
	[sflag:s19] =	ssyncset.done @!p0 $0x0  }
0x1a: {  	s17 =	sor.u32 s17, s18;
	[sflag:s19] =	ssyncadd.s32 @!p0 $0xFFFFE000  }
0x1b: {  	v16 =	vld [tilespmem:s17+$0x0]  }
0x1c: {  	v17 =	vld [tilespmem:s17+$0x10]  }
0x1d: {  	v18 =	vld [tilespmem:s17+$0x20]  }
0x1e: {  	v19 =	vld [tilespmem:s17+$0x30]  }
0x1f: {  	v20 =	vld [tilespmem:s17+$0x40]  }
0x20: {  	v21 =	vld [tilespmem:s17+$0x50]  }
0x21: {  	v22 =	vld [tilespmem:s17+$0x60]  }
0x22: {  	v23 =	vld [tilespmem:s17+$0x70];
	_ =	sdelay $0x3  }
0x23: {  	v24 =	vadd.f32 v17, v16;
	v25 =	vadd.f32 v19, v18  }
0x24: {  	v26 =	vadd.f32 v21, v20;
	v27 =	vadd.f32 v23, v22  }
0x25: {  	v16 =	vmax.f32 v16, v17;
	v17 =	vmax.f32 v18, v19;
	v55 =	vmax.f32 v20, v21  }
0x26: {  	v56 =	vmax.f32 v22, v23;
	v24 =	vadd.f32 v25, v24;
	v54 =	vadd.f32 v27, v26  }
0x27: {  	v16 =	vmax.f32 v16, v17;
	v17 =	vmax.f32 v55, v56  }
0x28: {  	v16 =	vmax.f32 v16, v17;
	v24 =	vadd.f32 v54, v24  }
0x29: {  	[tilespmem:$0x4180] =	vst v16  }
0x2a: {  	[tilespmem:$0x4000] =	vst v24  }
0x2b: {  	v16 =	vld [tilespmem:s17+$0x80]  }
0x2c: {  	v17 =	vld [tilespmem:s17+$0x90]  }
0x2d: {  	v57 =	vld [tilespmem:s17+$0xA0]  }
0x2e: {  	v58 =	vld [tilespmem:s17+$0xB0]  }
0x2f: {  	v59 =	vld [tilespmem:s17+$0xC0]  }
0x30: {  	v60 =	vld [tilespmem:s17+$0xD0]  }
0x31: {  	v61 =	vld [tilespmem:s17+$0xE0]  }
0x32: {  	v62 =	vld [tilespmem:s17+$0xF0];
	_ =	sdelay $0x3  }
0x33: {  	v63 =	vadd.f32 v17, v16;
	v30 =	vadd.f32 v58, v57  }
0x34: {  	v31 =	vadd.f32 v60, v59;
	v32 =	vadd.f32 v62, v61  }
0x35: {  	v16 =	vmax.f32 v16, v17;
	v17 =	vmax.f32 v57, v58;
	v34 =	vmax.f32 v59, v60  }
0x36: {  	v35 =	vmax.f32 v61, v62;
	v24 =	vadd.f32 v30, v63;
	v33 =	vadd.f32 v32, v31  }
0x37: {  	v16 =	vmax.f32 v16, v17;
	v17 =	vmax.f32 v34, v35  }
0x38: {  	v16 =	vmax.f32 v16, v17;
	v24 =	vadd.f32 v33, v24  }
0x39: {  	[tilespmem:$0x4191] =	vst v16  }
0x3a: {  	[tilespmem:$0x4011] =	vst v24  }
0x3b: {  	v16 =	vld [tilespmem:s17+$0x100]  }
0x3c: {  	v17 =	vld [tilespmem:s17+$0x110]  }
0x3d: {  	v36 =	vld [tilespmem:s17+$0x120]  }
0x3e: {  	v37 =	vld [tilespmem:s17+$0x130]  }
0x3f: {  	v38 =	vld [tilespmem:s17+$0x140]  }
0x40: {  	v39 =	vld [tilespmem:s17+$0x150]  }
0x41: {  	v40 =	vld [tilespmem:s17+$0x160]  }
0x42: {  	v41 =	vld [tilespmem:s17+$0x170];
	_ =	sdelay $0x3  }
0x43: {  	v42 =	vadd.f32 v17, v16;
	v43 =	vadd.f32 v37, v36  }
0x44: {  	v44 =	vadd.f32 v39, v38;
	v45 =	vadd.f32 v41, v40  }
0x45: {  	v16 =	vmax.f32 v16, v17;
	v17 =	vmax.f32 v36, v37;
	v47 =	vmax.f32 v38, v39  }
0x46: {  	v48 =	vmax.f32 v40, v41;
	v24 =	vadd.f32 v43, v42;
	v46 =	vadd.f32 v45, v44  }
0x47: {  	v16 =	vmax.f32 v16, v17;
	v17 =	vmax.f32 v47, v48  }
0x48: {  	v16 =	vmax.f32 v16, v17;
	v24 =	vadd.f32 v46, v24  }
0x49: {  	[tilespmem:$0x41A2] =	vst v16  }
0x4a: {  	[tilespmem:$0x4022] =	vst v24  }
0x4b: {  	v16 =	vld [tilespmem:s17+$0x180]  }
0x4c: {  	v17 =	vld [tilespmem:s17+$0x190]  }
0x4d: {  	v49 =	vld [tilespmem:s17+$0x1A0]  }
0x4e: {  	v50 =	vld [tilespmem:s17+$0x1B0]  }
0x4f: {  	v51 =	vld [tilespmem:s17+$0x1C0]  }
0x50: {  	v52 =	vld [tilespmem:s17+$0x1D0]  }
0x51: {  	v53 =	vld [tilespmem:s17+$0x1E0]  }
0x52: {  	v54 =	vld [tilespmem:s17+$0x1F0];
	_ =	sdelay $0x3  }
0x53: {  	v55 =	vadd.f32 v17, v16;
	v56 =	vadd.f32 v50, v49  }
0x54: {  	v57 =	vadd.f32 v52, v51;
	v58 =	vadd.f32 v54, v53  }
0x55: {  	v16 =	vmax.f32 v16, v17;
	v17 =	vmax.f32 v49, v50;
	v60 =	vmax.f32 v51, v52  }
0x56: {  	v61 =	vmax.f32 v53, v54;
	v24 =	vadd.f32 v56, v55;
	v59 =	vadd.f32 v58, v57  }
0x57: {  	v16 =	vmax.f32 v16, v17;
	v17 =	vmax.f32 v60, v61  }
0x58: {  	v16 =	vmax.f32 v16, v17;
	v24 =	vadd.f32 v59, v24  }
0x59: {  	[tilespmem:$0x41B3] =	vst v16  }
0x5a: {  	[tilespmem:$0x4033] =	vst v24  }
0x5b: {  	v16 =	vld [tilespmem:s17+$0x200]  }
0x5c: {  	v17 =	vld [tilespmem:s17+$0x210]  }
0x5d: {  	v62 =	vld [tilespmem:s17+$0x220]  }
0x5e: {  	v63 =	vld [tilespmem:s17+$0x230]  }
0x5f: {  	v30 =	vld [tilespmem:s17+$0x240]  }
0x60: {  	v31 =	vld [tilespmem:s17+$0x250]  }
0x61: {  	v32 =	vld [tilespmem:s17+$0x260]  }
0x62: {  	v33 =	vld [tilespmem:s17+$0x270];
	_ =	sdelay $0x3  }
0x63: {  	v34 =	vadd.f32 v17, v16;
	v35 =	vadd.f32 v63, v62  }
0x64: {  	v36 =	vadd.f32 v31, v30;
	v37 =	vadd.f32 v33, v32  }
0x65: {  	v16 =	vmax.f32 v16, v17;
	v17 =	vmax.f32 v62, v63;
	v39 =	vmax.f32 v30, v31  }
0x66: {  	v40 =	vmax.f32 v32, v33;
	v24 =	vadd.f32 v35, v34;
	v38 =	vadd.f32 v37, v36  }
0x67: {  	v16 =	vmax.f32 v16, v17;
	v17 =	vmax.f32 v39, v40  }
0x68: {  	v16 =	vmax.f32 v16, v17;
	v24 =	vadd.f32 v38, v24  }
0x69: {  	[tilespmem:$0x41C4] =	vst v16  }
0x6a: {  	[tilespmem:$0x4044] =	vst v24  }
0x6b: {  	v16 =	vld [tilespmem:s17+$0x280]  }
0x6c: {  	v17 =	vld [tilespmem:s17+$0x290]  }
0x6d: {  	v41 =	vld [tilespmem:s17+$0x2A0]  }
0x6e: {  	v42 =	vld [tilespmem:s17+$0x2B0]  }
0x6f: {  	v43 =	vld [tilespmem:s17+$0x2C0]  }
0x70: {  	v44 =	vld [tilespmem:s17+$0x2D0]  }
0x71: {  	v45 =	vld [tilespmem:s17+$0x2E0]  }
0x72: {  	v46 =	vld [tilespmem:s17+$0x2F0];
	_ =	sdelay $0x3  }
0x73: {  	v47 =	vadd.f32 v17, v16;
	v48 =	vadd.f32 v42, v41  }
0x74: {  	v49 =	vadd.f32 v44, v43;
	v50 =	vadd.f32 v46, v45  }
0x75: {  	v16 =	vmax.f32 v16, v17;
	v17 =	vmax.f32 v41, v42;
	v52 =	vmax.f32 v43, v44  }
0x76: {  	v53 =	vmax.f32 v45, v46;
	v24 =	vadd.f32 v48, v47;
	v51 =	vadd.f32 v50, v49  }
0x77: {  	v16 =	vmax.f32 v16, v17;
	v17 =	vmax.f32 v52, v53  }
0x78: {  	v16 =	vmax.f32 v16, v17;
	v24 =	vadd.f32 v51, v24  }
0x79: {  	[tilespmem:$0x41D5] =	vst v16  }
0x7a: {  	[tilespmem:$0x4055] =	vst v24  }
0x7b: {  	v16 =	vld [tilespmem:s17+$0x300]  }
0x7c: {  	v17 =	vld [tilespmem:s17+$0x310]  }
0x7d: {  	v54 =	vld [tilespmem:s17+$0x320]  }
0x7e: {  	v55 =	vld [tilespmem:s17+$0x330]  }
0x7f: {  	v56 =	vld [tilespmem:s17+$0x340]  }
0x80: {  	v57 =	vld [tilespmem:s17+$0x350]  }
0x81: {  	v58 =	vld [tilespmem:s17+$0x360]  }
0x82: {  	v59 =	vld [tilespmem:s17+$0x370];
	_ =	sdelay $0x3  }
0x83: {  	v60 =	vadd.f32 v17, v16;
	v61 =	vadd.f32 v55, v54  }
0x84: {  	v62 =	vadd.f32 v57, v56;
	v63 =	vadd.f32 v59, v58  }
0x85: {  	v16 =	vmax.f32 v16, v17;
	v17 =	vmax.f32 v54, v55;
	v29 =	vmax.f32 v56, v57  }
0x86: {  	v30 =	vmax.f32 v58, v59;
	v24 =	vadd.f32 v61, v60;
	v28 =	vadd.f32 v63, v62  }
0x87: {  	v16 =	vmax.f32 v16, v17;
	v17 =	vmax.f32 v29, v30  }
0x88: {  	v16 =	vmax.f32 v16, v17;
	v24 =	vadd.f32 v28, v24  }
0x89: {  	[tilespmem:$0x41E6] =	vst v16  }
0x8a: {  	[tilespmem:$0x4066] =	vst v24  }
0x8b: {  	v16 =	vld [tilespmem:s17+$0x380]  }
0x8c: {  	v17 =	vld [tilespmem:s17+$0x390]  }
0x8d: {  	v31 =	vld [tilespmem:s17+$0x3A0]  }
0x8e: {  	v32 =	vld [tilespmem:s17+$0x3B0]  }
0x8f: {  	v33 =	vld [tilespmem:s17+$0x3C0]  }
0x90: {  	v34 =	vld [tilespmem:s17+$0x3D0]  }
0x91: {  	v35 =	vld [tilespmem:s17+$0x3E0]  }
0x92: {  	v36 =	vld [tilespmem:s17+$0x3F0];
	_ =	sdelay $0x3  }
0x93: {  	v37 =	vadd.f32 v17, v16;
	v38 =	vadd.f32 v32, v31  }
0x94: {  	v39 =	vadd.f32 v34, v33;
	v40 =	vadd.f32 v36, v35  }
0x95: {  	v16 =	vmax.f32 v16, v17;
	v17 =	vmax.f32 v31, v32;
	v42 =	vmax.f32 v33, v34  }
0x96: {  	v43 =	vmax.f32 v35, v36;
	v24 =	vadd.f32 v38, v37;
	v41 =	vadd.f32 v40, v39  }
0x97: {  	v16 =	vmax.f32 v16, v17;
	v17 =	vmax.f32 v42, v43  }
0x98: {  	v16 =	vmax.f32 v16, v17;
	v24 =	vadd.f32 v41, v24  }
0x99: {  	[tilespmem:$0x41F7] =	vst v16  }
0x9a: {  	[tilespmem:$0x4077] =	vst v24  }
0x9b: {  	v16 =	vld [tilespmem:s17+$0x400]  }
0x9c: {  	v17 =	vld [tilespmem:s17+$0x410]  }
0x9d: {  	v44 =	vld [tilespmem:s17+$0x420]  }
0x9e: {  	v45 =	vld [tilespmem:s17+$0x430]  }
0x9f: {  	v46 =	vld [tilespmem:s17+$0x440]  }
0xa0: {  	v47 =	vld [tilespmem:s17+$0x450]  }
0xa1: {  	v48 =	vld [tilespmem:s17+$0x460]  }
0xa2: {  	v49 =	vld [tilespmem:s17+$0x470];
	_ =	sdelay $0x3  }
0xa3: {  	v50 =	vadd.f32 v17, v16;
	v51 =	vadd.f32 v45, v44  }
0xa4: {  	v52 =	vadd.f32 v47, v46;
	v53 =	vadd.f32 v49, v48  }
0xa5: {  	v16 =	vmax.f32 v16, v17;
	v17 =	vmax.f32 v44, v45;
	v55 =	vmax.f32 v46, v47  }
0xa6: {  	v56 =	vmax.f32 v48, v49;
	v24 =	vadd.f32 v51, v50;
	v54 =	vadd.f32 v53, v52  }
0xa7: {  	v16 =	vmax.f32 v16, v17;
	v17 =	vmax.f32 v55, v56  }
0xa8: {  	v16 =	vmax.f32 v16, v17;
	v24 =	vadd.f32 v54, v24  }
0xa9: {  	[tilespmem:$0x4208] =	vst v16  }
0xaa: {  	[tilespmem:$0x4088] =	vst v24  }
0xab: {  	v16 =	vld [tilespmem:s17+$0x480]  }
0xac: {  	v17 =	vld [tilespmem:s17+$0x490]  }
0xad: {  	v57 =	vld [tilespmem:s17+$0x4A0]  }
0xae: {  	v58 =	vld [tilespmem:s17+$0x4B0]  }
0xaf: {  	v59 =	vld [tilespmem:s17+$0x4C0]  }
0xb0: {  	v60 =	vld [tilespmem:s17+$0x4D0]  }
0xb1: {  	v61 =	vld [tilespmem:s17+$0x4E0]  }
0xb2: {  	v62 =	vld [tilespmem:s17+$0x4F0];
	_ =	sdelay $0x3  }
0xb3: {  	v63 =	vadd.f32 v17, v16;
	v30 =	vadd.f32 v58, v57  }
0xb4: {  	v31 =	vadd.f32 v60, v59;
	v32 =	vadd.f32 v62, v61  }
0xb5: {  	v16 =	vmax.f32 v16, v17;
	v17 =	vmax.f32 v57, v58;
	v34 =	vmax.f32 v59, v60  }
0xb6: {  	v35 =	vmax.f32 v61, v62;
	v24 =	vadd.f32 v30, v63;
	v33 =	vadd.f32 v32, v31  }
0xb7: {  	v16 =	vmax.f32 v16, v17;
	v17 =	vmax.f32 v34, v35  }
0xb8: {  	v16 =	vmax.f32 v16, v17;
	v24 =	vadd.f32 v33, v24  }
0xb9: {  	[tilespmem:$0x4219] =	vst v16  }
0xba: {  	[tilespmem:$0x4099] =	vst v24  }
0xbb: {  	v16 =	vld [tilespmem:s17+$0x500]  }
0xbc: {  	v17 =	vld [tilespmem:s17+$0x510]  }
0xbd: {  	v36 =	vld [tilespmem:s17+$0x520]  }
0xbe: {  	v37 =	vld [tilespmem:s17+$0x530]  }
0xbf: {  	v38 =	vld [tilespmem:s17+$0x540]  }
0xc0: {  	v39 =	vld [tilespmem:s17+$0x550]  }
0xc1: {  	v40 =	vld [tilespmem:s17+$0x560]  }
0xc2: {  	v41 =	vld [tilespmem:s17+$0x570];
	_ =	sdelay $0x3  }
0xc3: {  	v42 =	vadd.f32 v17, v16;
	v43 =	vadd.f32 v37, v36  }
0xc4: {  	v44 =	vadd.f32 v39, v38;
	v45 =	vadd.f32 v41, v40  }
0xc5: {  	v16 =	vmax.f32 v16, v17;
	v17 =	vmax.f32 v36, v37;
	v47 =	vmax.f32 v38, v39  }
0xc6: {  	v48 =	vmax.f32 v40, v41;
	v24 =	vadd.f32 v43, v42;
	v46 =	vadd.f32 v45, v44  }
0xc7: {  	v16 =	vmax.f32 v16, v17;
	v17 =	vmax.f32 v47, v48  }
0xc8: {  	v16 =	vmax.f32 v16, v17;
	v24 =	vadd.f32 v46, v24  }
0xc9: {  	[tilespmem:$0x422A] =	vst v16  }
0xca: {  	[tilespmem:$0x40AA] =	vst v24  }
0xcb: {  	v16 =	vld [tilespmem:s17+$0x580]  }
0xcc: {  	v17 =	vld [tilespmem:s17+$0x590]  }
0xcd: {  	v49 =	vld [tilespmem:s17+$0x5A0]  }
0xce: {  	v50 =	vld [tilespmem:s17+$0x5B0]  }
0xcf: {  	v51 =	vld [tilespmem:s17+$0x5C0]  }
0xd0: {  	v52 =	vld [tilespmem:s17+$0x5D0]  }
0xd1: {  	v53 =	vld [tilespmem:s17+$0x5E0]  }
0xd2: {  	v54 =	vld [tilespmem:s17+$0x5F0];
	_ =	sdelay $0x3  }
0xd3: {  	v55 =	vadd.f32 v17, v16;
	v56 =	vadd.f32 v50, v49  }
0xd4: {  	v57 =	vadd.f32 v52, v51;
	v58 =	vadd.f32 v54, v53  }
0xd5: {  	v16 =	vmax.f32 v16, v17;
	v17 =	vmax.f32 v49, v50;
	v60 =	vmax.f32 v51, v52  }
0xd6: {  	v61 =	vmax.f32 v53, v54;
	v24 =	vadd.f32 v56, v55;
	v59 =	vadd.f32 v58, v57  }
0xd7: {  	v16 =	vmax.f32 v16, v17;
	v17 =	vmax.f32 v60, v61  }
0xd8: {  	v16 =	vmax.f32 v16, v17;
	v24 =	vadd.f32 v59, v24  }
0xd9: {  	[tilespmem:$0x423B] =	vst v16  }
0xda: {  	[tilespmem:$0x40BB] =	vst v24  }
0xdb: {  	v16 =	vld [tilespmem:s17+$0x600]  }
0xdc: {  	v17 =	vld [tilespmem:s17+$0x610]  }
0xdd: {  	v62 =	vld [tilespmem:s17+$0x620]  }
0xde: {  	v63 =	vld [tilespmem:s17+$0x630]  }
0xdf: {  	v30 =	vld [tilespmem:s17+$0x640]  }
0xe0: {  	v31 =	vld [tilespmem:s17+$0x650]  }
0xe1: {  	v32 =	vld [tilespmem:s17+$0x660]  }
0xe2: {  	v33 =	vld [tilespmem:s17+$0x670];
	_ =	sdelay $0x3  }
0xe3: {  	v34 =	vadd.f32 v17, v16;
	v35 =	vadd.f32 v63, v62  }
0xe4: {  	v36 =	vadd.f32 v31, v30;
	v37 =	vadd.f32 v33, v32  }
0xe5: {  	v16 =	vmax.f32 v16, v17;
	v17 =	vmax.f32 v62, v63;
	v39 =	vmax.f32 v30, v31  }
0xe6: {  	v40 =	vmax.f32 v32, v33;
	v24 =	vadd.f32 v35, v34;
	v38 =	vadd.f32 v37, v36  }
0xe7: {  	v16 =	vmax.f32 v16, v17;
	v17 =	vmax.f32 v39, v40  }
0xe8: {  	v16 =	vmax.f32 v16, v17;
	v24 =	vadd.f32 v38, v24  }
0xe9: {  	[tilespmem:$0x424C] =	vst v16  }
0xea: {  	[tilespmem:$0x40CC] =	vst v24  }
0xeb: {  	v16 =	vld [tilespmem:s17+$0x680]  }
0xec: {  	v17 =	vld [tilespmem:s17+$0x690]  }
0xed: {  	v41 =	vld [tilespmem:s17+$0x6A0]  }
0xee: {  	v42 =	vld [tilespmem:s17+$0x6B0]  }
0xef: {  	v43 =	vld [tilespmem:s17+$0x6C0]  }
0xf0: {  	v44 =	vld [tilespmem:s17+$0x6D0]  }
0xf1: {  	v45 =	vld [tilespmem:s17+$0x6E0]  }
0xf2: {  	v46 =	vld [tilespmem:s17+$0x6F0];
	_ =	sdelay $0x3  }
0xf3: {  	v47 =	vadd.f32 v17, v16;
	v48 =	vadd.f32 v42, v41  }
0xf4: {  	v49 =	vadd.f32 v44, v43;
	v50 =	vadd.f32 v46, v45  }
0xf5: {  	v16 =	vmax.f32 v16, v17;
	v17 =	vmax.f32 v41, v42;
	v52 =	vmax.f32 v43, v44  }
0xf6: {  	v53 =	vmax.f32 v45, v46;
	v24 =	vadd.f32 v48, v47;
	v51 =	vadd.f32 v50, v49  }
0xf7: {  	v16 =	vmax.f32 v16, v17;
	v17 =	vmax.f32 v52, v53  }
0xf8: {  	v16 =	vmax.f32 v16, v17;
	v24 =	vadd.f32 v51, v24  }
0xf9: {  	[tilespmem:$0x425D] =	vst v16  }
0xfa: {  	[tilespmem:$0x40DD] =	vst v24  }
0xfb: {  	v16 =	vld [tilespmem:s17+$0x700]  }
0xfc: {  	v17 =	vld [tilespmem:s17+$0x710]  }
0xfd: {  	v54 =	vld [tilespmem:s17+$0x720]  }
0xfe: {  	v55 =	vld [tilespmem:s17+$0x730]  }
0xff: {  	v56 =	vld [tilespmem:s17+$0x740]  }
0x100: {  	v57 =	vld [tilespmem:s17+$0x750]  }
0x101: {  	v58 =	vld [tilespmem:s17+$0x760]  }
0x102: {  	v59 =	vld [tilespmem:s17+$0x770];
	_ =	sdelay $0x3  }
0x103: {  	v60 =	vadd.f32 v17, v16;
	v61 =	vadd.f32 v55, v54  }
0x104: {  	v62 =	vadd.f32 v57, v56;
	v63 =	vadd.f32 v59, v58  }
0x105: {  	v16 =	vmax.f32 v16, v17;
	v17 =	vmax.f32 v54, v55;
	v31 =	vmax.f32 v56, v57  }
0x106: {  	v32 =	vmax.f32 v58, v59;
	v24 =	vadd.f32 v61, v60;
	v30 =	vadd.f32 v63, v62  }
0x107: {  	v16 =	vmax.f32 v16, v17;
	v17 =	vmax.f32 v31, v32  }
0x108: {  	v16 =	vmax.f32 v16, v17;
	v24 =	vadd.f32 v30, v24  }
0x109: {  	[tilespmem:$0x426E] =	vst v16  }
0x10a: {  	[tilespmem:$0x40EE] =	vst v24  }
0x10b: {  	v16 =	vld [tilespmem:s17+$0x780]  }
0x10c: {  	v17 =	vld [tilespmem:s17+$0x790]  }
0x10d: {  	v33 =	vld [tilespmem:s17+$0x7A0]  }
0x10e: {  	v34 =	vld [tilespmem:s17+$0x7B0]  }
0x10f: {  	v35 =	vld [tilespmem:s17+$0x7C0]  }
0x110: {  	v36 =	vld [tilespmem:s17+$0x7D0]  }
0x111: {  	v37 =	vld [tilespmem:s17+$0x7E0]  }
0x112: {  	v38 =	vld [tilespmem:s17+$0x7F0];
	_ =	sdelay $0x3  }
0x113: {  	v39 =	vadd.f32 v17, v16;
	v40 =	vadd.f32 v34, v33  }
0x114: {  	v41 =	vadd.f32 v36, v35;
	v42 =	vadd.f32 v38, v37  }
0x115: {  	v16 =	vmax.f32 v16, v17;
	v17 =	vmax.f32 v33, v34;
	v44 =	vmax.f32 v35, v36  }
0x116: {  	v45 =	vmax.f32 v37, v38;
	v24 =	vadd.f32 v40, v39;
	v43 =	vadd.f32 v42, v41  }
0x117: {  	v16 =	vmax.f32 v16, v17;
	v17 =	vmax.f32 v44, v45  }
0x118: {  	v16 =	vmax.f32 v16, v17;
	v24 =	vadd.f32 v43, v24  }
0x119: {  	[tilespmem:$0x427F] =	vst v16  }
0x11a: {  	[tilespmem:$0x40FF] =	vst v24  }
0x11b: {  	v16 =	vld.idx.msk [tilespmem:v0+s8+$0x0], $0xffff  }
0x11c: {  	v17 =	vld.idx.msk [tilespmem:v1+s8+$0x0], $0xffff  }
0x11d: {  	v46 =	vld.idx.msk [tilespmem:v2+s8+$0x0], $0xffff  }
0x11e: {  	v47 =	vld.idx.msk [tilespmem:v3+s8+$0x0], $0xffff  }
0x11f: {  	v48 =	vld.idx.msk [tilespmem:v0+s9+$0x0], $0xffff  }
0x120: {  	v49 =	vld.idx.msk [tilespmem:v1+s9+$0x0], $0xffff  }
0x121: {  	v50 =	vld.idx.msk [tilespmem:v2+s9+$0x0], $0xffff  }
0x122: {  	v51 =	vld.idx.msk [tilespmem:v3+s9+$0x0], $0xffff  }
0x123: {  	v24 =	vld.idx.msk [tilespmem:v4+s8+$0x0], $0xffff  }
0x124: {  	v52 =	vld.idx.msk [tilespmem:v4+s9+$0x0], $0xffff  }
0x125: {  	v53 =	vld.idx.msk [tilespmem:v5+s8+$0x0], $0xffff  }
0x126: {  	v54 =	vld.idx.msk [tilespmem:v5+s9+$0x0], $0xffff  }
0x127: {  	v28 =	vld.idx.msk [tilespmem:v6+s8+$0x0], $0xffff  }
0x128: {  	v29 =	vld.idx.msk [tilespmem:v6+s9+$0x0], $0xffff  }
0x129: {  	v30 =	vld.idx.msk [tilespmem:v7+s8+$0x0], $0xffff  }
0x12a: {  	v31 =	vld.idx.msk [tilespmem:v7+s9+$0x0], $0xffff  }
0x12b: {  	v32 =	vld.idx.msk [tilespmem:v8+s8+$0x0], $0xffff  }
0x12c: {  	v33 =	vld.idx.msk [tilespmem:v8+s9+$0x0], $0xffff  }
0x12d: {  	v34 =	vld.idx.msk [tilespmem:v9+s8+$0x0], $0xffff  }
0x12e: {  	v35 =	vld.idx.msk [tilespmem:v9+s9+$0x0], $0xffff  }
0x12f: {  	v36 =	vld.idx.msk [tilespmem:v10+s8+$0x0], $0xffff  }
0x130: {  	v37 =	vld.idx.msk [tilespmem:v10+s9+$0x0], $0xffff  }
0x131: {  	v38 =	vld.idx.msk [tilespmem:v11+s8+$0x0], $0xffff  }
0x132: {  	v39 =	vld.idx.msk [tilespmem:v11+s9+$0x0], $0xffff  }
0x133: {  	v40 =	vld.idx.msk [tilespmem:v12+s8+$0x0], $0xffff  }
0x134: {  	v41 =	vld.idx.msk [tilespmem:v13+s8+$0x0], $0xffff  }
0x135: {  	v42 =	vld.idx.msk [tilespmem:v14+s8+$0x0], $0xffff  }
0x136: {  	v55 =	vld.idx.msk [tilespmem:v15+s8+$0x0], $0xffff;
	v16 =	vadd.f32 v24, v16;
	v17 =	vadd.f32 v53, v17  }
0x137: {  	v56 =	vld.idx.msk [tilespmem:v12+s9+$0x0], $0xffff;
	v18 =	vadd.f32 v28, v46;
	v19 =	vadd.f32 v30, v47  }
0x138: {  	v57 =	vld.idx.msk [tilespmem:v13+s9+$0x0], $0xffff;
	v16 =	vadd.f32 v32, v16;
	v17 =	vadd.f32 v34, v17  }
0x139: {  	v58 =	vld.idx.msk [tilespmem:v14+s9+$0x0], $0xffff;
	v20 =	vmax.f32 v48, v52;
	v18 =	vadd.f32 v36, v18;
	v19 =	vadd.f32 v38, v19  }
0x13a: {  	v59 =	vld.idx.msk [tilespmem:v15+s9+$0x0], $0xffff;
	v21 =	vmax.f32 v49, v54;
	v16 =	vadd.f32 v40, v16;
	v17 =	vadd.f32 v41, v17  }
0x13b: {  	v22 =	vmax.f32 v50, v29;
	v18 =	vadd.f32 v42, v18;
	v19 =	vadd.f32 v55, v19  }
0x13c: {  	s16 =	sadd.s32 $0x1, s16;
	v23 =	vmax.f32 v51, v31;
	v20 =	vmax.f32 v20, v33;
	v21 =	vmax.f32 v21, v35  }
0x13d: {  	p0 =	sne.s32 s16, $0x8;
	v22 =	vmax.f32 v22, v37;
	v16 =	vadd.f32 v17, v16;
	v17 =	vadd.f32 v19, v18  }
.Ltmp0:
0x13e: {  	v60 =	vmax.f32 v23, v39;
	v61 =	vmax.f32 v20, v56;
	v62 =	vmax.f32 v21, v57;
	(pc) =	sbr.rel @p0 .LBB2_2-.Ltmp0, $4  }
0x13f: {  	v63 =	vmax.f32 v22, v58;
	v18 =	vmax.f32 v60, v59;
	v16 =	vadd.f32 v17, v16  }
0x140: {  	v18 =	vmax.f32 v63, v18;
	v17 =	vmax.f32 v61, v62  }
0x141: {  	v17 =	vmax.f32 v17, v18;
	[tilespmem:s15+$0x0] =	vst v16  }
0x142: {  	s15 =	sadd.s32 $0x10, s15;
	[tilespmem:s14+$0x0] =	vst v17;
	s14 =	sadd.s32 $0x10, s14  }
0x143: {  	[hbm4b:s5+s2] =	stream.linear.scatter [tilespmem:s10], [sflag:$0x3], $0x80, $0x38;
	[tilespmem:$0x4400] =	vst v63  }
0x144: {  	s13 =	sadd.s32 $0x1, s13;
	_ =	swait.ge [sflag:s11], $0x80  }
0x145: {  	p0 =	sne.s32 s13, s7;
	[sflag:s11] =	ssyncset.done $0x0  }
.Ltmp1:
0x146: {  	[sflag:s11] =	ssyncadd.s32 $0xFFFFFF80;
	(pc) =	sbr.rel @p0 .LBB2_1-.Ltmp1, $4  }
0x147: {  	[hbm4b:s6+s2] =	stream.linear.scatter [tilespmem:s12], [sflag:$0x3], $0x80, $0x38;
	[tilespmem:$0x4400] =	vst v63  }
0x148: {  	_ =	swait.ge [sflag:s11], $0x80  }
0x149: {  	[sflag:s11] =	ssyncset.done $0x0  }
0x14a: {  	[sflag:s11] =	ssyncadd.s32 $0xFFFFFF80  }
0x14b: {  	_ =	sfence.sel $0x180000  }
0x14c: {  	[bflag:$0x0] =	sbarrier.arrive $0xFFFF  }
0x14d: {  	p0 =	sne.s32 s1, $0x0;
	_ =	strace $0x90000047  }
0x14e: {  	s0 =	sadd.s32 @!p0 $0x100000, s0;
	[bflag:$0x2] =	sbarrier.arrive $0xFFFF  }
0x14f: {  	[sflag:s0] =	ssyncadd.tile.s32 @!p0 $0x1;
	_ =	shalt  }
.Lfunc_end2:
_tile_overlayer_lowered:
.L_overlay_start_2:
0x150: {  	(tag) =	ssettag $0x2  }
0x151: {  	s0 =	rddreg [dreg:$0x0];
	s2 =	stileid.u32  }
0x152: {  	s1 =	rddreg [dreg:$0x1];
	p0 =	sne.s32 s2, $0x0  }
0x153: {  	s3 =	rddreg [dreg:$0x2];
	[bflag:$0x3] =	sbarrier.arrive $0xFFFF;
	s2 =	simm.s32 @!p0 $0x1C03  }
0x154: {  	[timem:s3], [sflag:s2] =	dma.local @!p0 [hbm:s0], s1  }
0x155: {  	s0 =	simm.s32 @!p0 $0x3  }
0x156: {  	_ =	swait.ge @!p0 [sflag:s0], s1  }
0x157: {  	s1 =	ssub.s32 @!p0 $0x0, s1;
	[sflag:s0] =	ssyncset.done @!p0 $0x0  }
0x158: {  	[sflag:s0] =	ssyncadd.s32 @!p0 s1  }
0x159: {  	[bflag:$0x3] =	sbarrier.arrive $0xFFFF  }
0x15a: {  	_ =	shalt  }

</sc_bundles>
